<compile_context>
chip_gen: v7x
topology: tpu7x:2x2x1
jax: 0.10.2.dev20260603
libtpu: 0.0.44.dev20260713+nightly
codegen_flags: <defaults>
</compile_context>

<pallas_src>
import functools

import jax
import jax.numpy as jnp
from jax import lax
from jax.experimental import pallas as pl
from jax.experimental.pallas import tpu as pltpu
from jax.experimental.pallas import tpu_sc as plsc

NC = 2
NS = 16
L = 16
NW = NC * NS

H = 9
NH = 8
D = 128
RW = H * D

B_SC = 2048
BB_TC = 1024
NB_TC = (16384 - B_SC) // BB_TC


def _sc_slab(x_flat, i_flat, n_rows):
    rows_per_w = n_rows // NW
    ngroups = rows_per_w // L
    gw = L * RW

    mesh = plsc.VectorSubcoreMesh(core_axis_name="c", subcore_axis_name="s")

    @functools.partial(
        pl.kernel,
        out_type=(
            jax.ShapeDtypeStruct((n_rows * NH,), jnp.float32),
            jax.ShapeDtypeStruct((n_rows,), jnp.int32),
            jax.ShapeDtypeStruct((NW * L,), jnp.float32),
            jax.ShapeDtypeStruct((NW * L,), jnp.float32),
        ),
        mesh=mesh,
        scratch_types=[
            pltpu.VMEM((2 * gw,), jnp.float32),
            pltpu.VMEM((rows_per_w * 2,), jnp.int32),
            pltpu.VMEM((rows_per_w * NH,), jnp.float32),
            pltpu.VMEM((rows_per_w,), jnp.int32),
            pltpu.VMEM((L,), jnp.float32),
            pltpu.SemaphoreType.DMA,
        ],
        compiler_params=pltpu.CompilerParams(needs_layout_passes=False),
    )
    def body(x_hbm, i_hbm, diff_hbm, pred_hbm, lpart_hbm, apart_hbm,
             xbuf, ibuf, diffb, predb, stage, sem):
        wid = lax.axis_index("s") * NC + lax.axis_index("c")
        rbase = wid * rows_per_w
        lanes = lax.iota(jnp.int32, L)

        pltpu.sync_copy(i_hbm.at[pl.ds(pl.multiple_of(rbase * 2, 128),
                                       rows_per_w * 2)], ibuf)

        pltpu.async_copy(x_hbm.at[pl.ds(pl.multiple_of(rbase * RW, 2048), gw)],
                         xbuf.at[pl.ds(0, gw)], sem)

        zf = jnp.zeros((L,), jnp.float32)

        def group_body(g, carry):
            loss_vec, acc_vec = carry
            slot = lax.rem(g, 2)
            sbase = slot * gw
            pltpu.make_async_copy(x_hbm.at[pl.ds(0, gw)],
                                  xbuf.at[pl.ds(sbase, gw)], sem).wait()

            @pl.when(g + 1 < ngroups)
            def _():
                off = pl.multiple_of(rbase * RW + (g + 1) * gw, 2048)
                pltpu.async_copy(x_hbm.at[pl.ds(off, gw)],
                                 xbuf.at[pl.ds((1 - slot) * gw, gw)], sem)

            av = lanes * RW + sbase

            def dim_body(d, accs):
                base = av + d
                t = plsc.load_gather(xbuf, [base + NH * D])
                out = []
                for i in range(NH):
                    x = plsc.load_gather(xbuf, [base + i * D])
                    e = x - t
                    out.append(accs[i] + e * e)
                return tuple(out)

            accs = lax.fori_loop(0, D, dim_body, (zf,) * NH, unroll=2)

            yt = plsc.load_gather(ibuf, [g * (2 * L) + lanes * 2]) - 8

            best = accs[0]
            besti = jnp.zeros((L,), jnp.int32)
            rowsum = accs[0]
            sel = jnp.where(yt == 0, accs[0], 0.0)
            for i in range(1, NH):
                a = accs[i]
                lt = a < best
                besti = jnp.where(lt, jnp.int32(i), besti)
                best = jnp.where(lt, a, best)
                rowsum = rowsum + a
                sel = sel + jnp.where(yt == i, a, 0.0)

            loss_vec = loss_vec + (2.0 * sel - rowsum)
            acc_vec = acc_vec + jnp.where(besti == yt, 1.0, 0.0)

            for i in range(NH):
                plsc.store_scatter(diffb, [g * (L * NH) + lanes * NH + i],
                                   accs[i])
            plsc.store_scatter(predb, [g * L + lanes], besti)
            return (loss_vec, acc_vec)

        loss_vec, acc_vec = lax.fori_loop(0, ngroups, group_body, (zf, zf))

        pltpu.sync_copy(diffb, diff_hbm.at[pl.ds(
            pl.multiple_of(rbase * NH, 512), rows_per_w * NH)])
        pltpu.sync_copy(predb, pred_hbm.at[pl.ds(
            pl.multiple_of(rbase, 64), rows_per_w)])
        stage[...] = loss_vec
        pltpu.sync_copy(stage, lpart_hbm.at[pl.ds(
            pl.multiple_of(wid * L, 16), L)])
        stage[...] = acc_vec
        pltpu.sync_copy(stage, apart_hbm.at[pl.ds(
            pl.multiple_of(wid * L, 16), L)])

    return body(x_flat, i_flat)


def _tc_slab(x, y_true):
    bb = BB_TC
    nb = NB_TC
    k0 = B_SC // bb

    def body(x_ref, y_ref, diff_ref, pred_ref, lp_ref, ap_ref):
        t = x_ref[:, NH, :]
        rs = []
        for i in range(NH):
            e = x_ref[:, i, :] - t
            rs.append(jnp.sum(e * e, axis=-1))

        yt = y_ref[0, 0, :]
        best = rs[0]
        besti = jnp.zeros((bb,), jnp.int32)
        rowsum = rs[0]
        sel = jnp.where(yt == 0, rs[0], 0.0)
        for i in range(1, NH):
            a = rs[i]
            lt = a < best
            besti = jnp.where(lt, jnp.int32(i), besti)
            best = jnp.where(lt, a, best)
            rowsum = rowsum + a
            sel = sel + jnp.where(yt == i, a, 0.0)

        for i in range(NH):
            diff_ref[i, :] = rs[i]
        pred_ref[0, 0, :] = besti
        lp_ref[...] = jnp.full((1, 1, 128), jnp.sum(2.0 * sel - rowsum),
                               jnp.float32)
        ap_ref[...] = jnp.full((1, 1, 128),
                               jnp.sum(jnp.where(besti == yt, 1.0, 0.0)),
                               jnp.float32)

    return pl.pallas_call(
        body,
        grid=(nb,),
        in_specs=[
            pl.BlockSpec((bb, H, D), lambda k: (k + k0, 0, 0)),
            pl.BlockSpec((1, 1, bb), lambda k: (k + k0, 0, 0)),
        ],
        out_specs=[
            pl.BlockSpec((NH, bb), lambda k: (0, k)),
            pl.BlockSpec((1, 1, bb), lambda k: (k, 0, 0)),
            pl.BlockSpec((1, 1, 128), lambda k: (k, 0, 0)),
            pl.BlockSpec((1, 1, 128), lambda k: (k, 0, 0)),
        ],
        out_shape=(
            jax.ShapeDtypeStruct((NH, nb * bb), jnp.float32),
            jax.ShapeDtypeStruct((nb, 1, bb), jnp.int32),
            jax.ShapeDtypeStruct((nb, 1, 128), jnp.float32),
            jax.ShapeDtypeStruct((nb, 1, 128), jnp.float32),
        ),
    )(x, y_true.reshape(-1, 1, bb))


def _merge(lpart, apart, lp_tc, ap_tc, B):
    mesh = plsc.VectorSubcoreMesh(core_axis_name="c", subcore_axis_name="s")

    @functools.partial(
        pl.kernel,
        out_type=(
            jax.ShapeDtypeStruct((L,), jnp.float32),
            jax.ShapeDtypeStruct((L,), jnp.float32),
        ),
        mesh=mesh,
        scratch_types=[
            pltpu.VMEM((NW * L,), jnp.float32),
            pltpu.VMEM((NW * L,), jnp.float32),
            pltpu.VMEM((2 * L,), jnp.float32),
            pltpu.VMEM((2 * L,), jnp.float32),
            pltpu.VMEM((L,), jnp.float32),
            pltpu.VMEM((L,), jnp.float32),
        ],
        compiler_params=pltpu.CompilerParams(needs_layout_passes=False),
    )
    def body(lpart_hbm, apart_hbm, lptc_hbm, aptc_hbm, loss_out, acc_out,
             lbuf, abuf, ltc, atc, lst, ast):
        wid = lax.axis_index("s") * NC + lax.axis_index("c")

        @pl.when(wid == 0)
        def _():
            pltpu.sync_copy(lpart_hbm, lbuf)
            pltpu.sync_copy(apart_hbm, abuf)
            pltpu.sync_copy(lptc_hbm, ltc)
            pltpu.sync_copy(aptc_hbm, atc)
            ls = ltc[pl.ds(0, L)] + ltc[pl.ds(L, L)]
            ac = atc[pl.ds(0, L)] + atc[pl.ds(L, L)]
            for r in range(NW):
                ls = ls + lbuf[pl.ds(r * L, L)]
                ac = ac + abuf[pl.ds(r * L, L)]
            loss = jnp.sum(ls) * (1.0 / (B * NH))
            acc = jnp.sum(ac) * (1.0 / B)
            lst[...] = jnp.full((L,), loss, jnp.float32)
            ast[...] = jnp.full((L,), acc, jnp.float32)
            pltpu.sync_copy(lst, loss_out)
            pltpu.sync_copy(ast, acc_out)

    return body(lpart, apart, lp_tc, ap_tc)


def kernel(outputs, index):
    B = outputs.shape[0]
    assert outputs.shape[1:] == (H, D)
    assert B_SC % (NW * L) == 0 and B_SC % BB_TC == 0
    assert B == B_SC + NB_TC * BB_TC

    idx32 = index.astype(jnp.int32)
    x_sc = outputs[:B_SC].reshape(-1)
    i_sc = idx32[:B_SC].reshape(-1)
    diff_sc, pred_sc, lpart, apart = _sc_slab(x_sc, i_sc, B_SC)

    y_all = idx32[:, 0] - 8
    diff_t, pred_tc, lp_tc, ap_tc = _tc_slab(outputs, y_all)

    pad = 2 * L - NB_TC
    lp_vec = jnp.pad(lp_tc[:, 0, 0], (0, pad))
    ap_vec = jnp.pad(ap_tc[:, 0, 0], (0, pad))
    loss16, acc16 = _merge(lpart, apart, lp_vec, ap_vec, B)

    diff = jnp.concatenate([diff_sc.reshape(B_SC, NH), diff_t.T], axis=0)
    pred = jnp.concatenate([pred_sc, pred_tc.reshape(-1)], axis=0)
    return diff, pred, loss16[0], acc16[0]

# --- scband reference (transcript-rebuilt; emitter-appended) ---
"""Pipeline reference for scband-prob-dist-metric-64029372449462 (READ-ONLY COPY).

The authoritative reference and input builder live on the scoring server;
editing this copy changes nothing except your own understanding.
"""

import jax, jax.numpy as jnp
import numpy as np


def reverse_index_loss(y_true, y_pred, depth=8):
    oh = jax.nn.one_hot(y_true, depth, dtype=jnp.bool_)
    mask = jnp.where(oh, 1.0, -1.0)
    return jnp.mean(mask * y_pred)


def setup_inputs(seed: int = 0) -> dict:
    key = jax.random.key(seed)
    k1, k2 = jax.random.split(key)
    B, d = 16384, 128
    outputs = jax.random.normal(k1, (B, 9, d), dtype=jnp.float32)
    # true class index stored offset by 8, as in the original module (index[:,0] - 8)
    index = jax.random.randint(k2, (B, 2), 8, 16)
    return {"outputs": outputs, "index": index}


def reference(outputs, index):
    # Emulates ProbDistMetric.call: per-hypothesis distance to the target
    # slot (outputs[:, -1]) accumulated into diff[B, 8] via scatter-add,
    # argmin class selection, reverse_index loss, and batch accuracy.
    B = outputs.shape[0]
    target = outputs[:, -1, :]
    diff = jnp.zeros((B, 8), dtype=outputs.dtype)
    rows = jnp.arange(B)
    for i in range(8):
        r1 = jnp.sum((outputs[:, i, :] - target) ** 2, axis=-1)
        cols = jnp.full((B,), i)
        # tf.tensor_scatter_nd_add(diff, stack((rows, tile(i)), -1), r1)
        diff = diff.at[rows, cols].add(r1)
    pred_index = jnp.argmin(diff, axis=-1)
    y_true = index[:, 0] - 8
    loss = reverse_index_loss(y_true, diff, depth=8)
    acc_batch = (y_true == pred_index)
    acc = jnp.mean(acc_batch.astype(jnp.float32))
    return diff, pred_index, loss, acc

if __name__ == "__main__":
    import jax
    _d = setup_inputs()
    print(jax.jit(kernel)(*tuple(_d.values())))

</pallas_src>

<mosaic_0001>
#map = affine_map<(d0, d1) -> (0)>
module attributes {stable_mosaic.version = 14 : i64} {
  func.func @body(%arg0: i32, %arg1: i32, %arg2: memref<512xf32, #tpu.memory_space<hbm>>, %arg3: memref<512xf32, #tpu.memory_space<hbm>>, %arg4: memref<32xf32, #tpu.memory_space<hbm>>, %arg5: memref<32xf32, #tpu.memory_space<hbm>>, %arg6: memref<16xf32, #tpu.memory_space<hbm>>, %arg7: memref<16xf32, #tpu.memory_space<hbm>>, %arg8: memref<512xf32, #tpu.memory_space<vmem>>, %arg9: memref<512xf32, #tpu.memory_space<vmem>>, %arg10: memref<32xf32, #tpu.memory_space<vmem>>, %arg11: memref<32xf32, #tpu.memory_space<vmem>>, %arg12: memref<16xf32, #tpu.memory_space<vmem>>, %arg13: memref<16xf32, #tpu.memory_space<vmem>>) attributes {dimension_semantics = [#tpu.dimension_semantics<core_parallel>, #tpu.dimension_semantics<subcore_parallel>], iteration_bounds = array<i64: 2, 16>, scalar_prefetch = 0 : i64, scratch_operands = 6 : i64, tpu.core_type = #tpu.core_type<sc_vector_subcore>, window_params = [{transform_indices = #map}, {transform_indices = #map}, {transform_indices = #map}, {transform_indices = #map}, {transform_indices = #map}, {transform_indices = #map}]} {
    %mul3A = arith.constant 2 : i32
    %mul3A_0 = arith.muli %arg1, %mul3A : i32
    %add3A = arith.addi %mul3A_0, %arg0 : i32
    %eq3A = arith.constant 0 : i32
    %eq3A_1 = arith.cmpi eq, %add3A, %eq3A : i32
    %convert_element_type3A = arith.extui %eq3A_1 : i1 to i32
    %cond3A = arith.constant 0 : i32
    %cond3A_2 = arith.cmpi ne, %convert_element_type3A, %cond3A : i32
    scf.if %cond3A_2 {
      "tpu.region"() ({
        %run_scoped3A = tpu.sem_alloc : memref<!tpu.dma_semaphore, #tpu.memory_space<semaphore_mem>>
        tpu.enqueue_dma source(%arg2 : memref<512xf32, #tpu.memory_space<hbm>>) target(%arg8 : memref<512xf32, #tpu.memory_space<vmem>>) target_semaphore(%run_scoped3A : memref<!tpu.dma_semaphore, #tpu.memory_space<semaphore_mem>>)
        tpu.wait_dma2 semaphore(%run_scoped3A : memref<!tpu.dma_semaphore, #tpu.memory_space<semaphore_mem>>) src(%arg2 : memref<512xf32, #tpu.memory_space<hbm>>) dst(%arg8 : memref<512xf32, #tpu.memory_space<vmem>>)
        tpu.yield
      }) : () -> ()
      "tpu.region"() ({
        %run_scoped3A = tpu.sem_alloc : memref<!tpu.dma_semaphore, #tpu.memory_space<semaphore_mem>>
        tpu.enqueue_dma source(%arg3 : memref<512xf32, #tpu.memory_space<hbm>>) target(%arg9 : memref<512xf32, #tpu.memory_space<vmem>>) target_semaphore(%run_scoped3A : memref<!tpu.dma_semaphore, #tpu.memory_space<semaphore_mem>>)
        tpu.wait_dma2 semaphore(%run_scoped3A : memref<!tpu.dma_semaphore, #tpu.memory_space<semaphore_mem>>) src(%arg3 : memref<512xf32, #tpu.memory_space<hbm>>) dst(%arg9 : memref<512xf32, #tpu.memory_space<vmem>>)
        tpu.yield
      }) : () -> ()
      "tpu.region"() ({
        %run_scoped3A = tpu.sem_alloc : memref<!tpu.dma_semaphore, #tpu.memory_space<semaphore_mem>>
        tpu.enqueue_dma source(%arg4 : memref<32xf32, #tpu.memory_space<hbm>>) target(%arg10 : memref<32xf32, #tpu.memory_space<vmem>>) target_semaphore(%run_scoped3A : memref<!tpu.dma_semaphore, #tpu.memory_space<semaphore_mem>>)
        tpu.wait_dma2 semaphore(%run_scoped3A : memref<!tpu.dma_semaphore, #tpu.memory_space<semaphore_mem>>) src(%arg4 : memref<32xf32, #tpu.memory_space<hbm>>) dst(%arg10 : memref<32xf32, #tpu.memory_space<vmem>>)
        tpu.yield
      }) : () -> ()
      "tpu.region"() ({
        %run_scoped3A = tpu.sem_alloc : memref<!tpu.dma_semaphore, #tpu.memory_space<semaphore_mem>>
        tpu.enqueue_dma source(%arg5 : memref<32xf32, #tpu.memory_space<hbm>>) target(%arg11 : memref<32xf32, #tpu.memory_space<vmem>>) target_semaphore(%run_scoped3A : memref<!tpu.dma_semaphore, #tpu.memory_space<semaphore_mem>>)
        tpu.wait_dma2 semaphore(%run_scoped3A : memref<!tpu.dma_semaphore, #tpu.memory_space<semaphore_mem>>) src(%arg5 : memref<32xf32, #tpu.memory_space<hbm>>) dst(%arg11 : memref<32xf32, #tpu.memory_space<vmem>>)
        tpu.yield
      }) : () -> ()
      %get3A = arith.constant 0 : index
      %get3A_3 = tpu.vector_load %arg10[%get3A] {strides = array<i32>} : memref<32xf32, #tpu.memory_space<vmem>>, vector<16xf32>,
      %get3A_4 = arith.constant 16 : index
      %get3A_5 = tpu.vector_load %arg10[%get3A_4] {strides = array<i32>} : memref<32xf32, #tpu.memory_space<vmem>>, vector<16xf32>,
      %add3A_6 = arith.addf %get3A_3, %get3A_5 : vector<16xf32>
      %get3A_7 = arith.constant 0 : index
      %get3A_8 = tpu.vector_load %arg11[%get3A_7] {strides = array<i32>} : memref<32xf32, #tpu.memory_space<vmem>>, vector<16xf32>,
      %get3A_9 = arith.constant 16 : index
      %get3A_10 = tpu.vector_load %arg11[%get3A_9] {strides = array<i32>} : memref<32xf32, #tpu.memory_space<vmem>>, vector<16xf32>,
      %add3A_11 = arith.addf %get3A_8, %get3A_10 : vector<16xf32>
      %get3A_12 = arith.constant 0 : index
      %get3A_13 = tpu.vector_load %arg8[%get3A_12] {strides = array<i32>} : memref<512xf32, #tpu.memory_space<vmem>>, vector<16xf32>,
      %add3A_14 = arith.addf %add3A_6, %get3A_13 : vector<16xf32>
      %get3A_15 = arith.constant 0 : index
      %get3A_16 = tpu.vector_load %arg9[%get3A_15] {strides = array<i32>} : memref<512xf32, #tpu.memory_space<vmem>>, vector<16xf32>,
      %add3A_17 = arith.addf %add3A_11, %get3A_16 : vector<16xf32>
      %get3A_18 = arith.constant 16 : index
      %get3A_19 = tpu.vector_load %arg8[%get3A_18] {strides = array<i32>} : memref<512xf32, #tpu.memory_space<vmem>>, vector<16xf32>,
      %add3A_20 = arith.addf %add3A_14, %get3A_19 : vector<16xf32>
      %get3A_21 = arith.constant 16 : index
      %get3A_22 = tpu.vector_load %arg9[%get3A_21] {strides = array<i32>} : memref<512xf32, #tpu.memory_space<vmem>>, vector<16xf32>,
      %add3A_23 = arith.addf %add3A_17, %get3A_22 : vector<16xf32>
      %get3A_24 = arith.constant 32 : index
      %get3A_25 = tpu.vector_load %arg8[%get3A_24] {strides = array<i32>} : memref<512xf32, #tpu.memory_space<vmem>>, vector<16xf32>,
      %add3A_26 = arith.addf %add3A_20, %get3A_25 : vector<16xf32>
      %get3A_27 = arith.constant 32 : index
      %get3A_28 = tpu.vector_load %arg9[%get3A_27] {strides = array<i32>} : memref<512xf32, #tpu.memory_space<vmem>>, vector<16xf32>,
      %add3A_29 = arith.addf %add3A_23, %get3A_28 : vector<16xf32>
      %get3A_30 = arith.constant 48 : index
      %get3A_31 = tpu.vector_load %arg8[%get3A_30] {strides = array<i32>} : memref<512xf32, #tpu.memory_space<vmem>>, vector<16xf32>,
      %add3A_32 = arith.addf %add3A_26, %get3A_31 : vector<16xf32>
      %get3A_33 = arith.constant 48 : index
      %get3A_34 = tpu.vector_load %arg9[%get3A_33] {strides = array<i32>} : memref<512xf32, #tpu.memory_space<vmem>>, vector<16xf32>,
      %add3A_35 = arith.addf %add3A_29, %get3A_34 : vector<16xf32>
      %get3A_36 = arith.constant 64 : index
      %get3A_37 = tpu.vector_load %arg8[%get3A_36] {strides = array<i32>} : memref<512xf32, #tpu.memory_space<vmem>>, vector<16xf32>,
      %add3A_38 = arith.addf %add3A_32, %get3A_37 : vector<16xf32>
      %get3A_39 = arith.constant 64 : index
      %get3A_40 = tpu.vector_load %arg9[%get3A_39] {strides = array<i32>} : memref<512xf32, #tpu.memory_space<vmem>>, vector<16xf32>,
      %add3A_41 = arith.addf %add3A_35, %get3A_40 : vector<16xf32>
      %get3A_42 = arith.constant 80 : index
      %get3A_43 = tpu.vector_load %arg8[%get3A_42] {strides = array<i32>} : memref<512xf32, #tpu.memory_space<vmem>>, vector<16xf32>,
      %add3A_44 = arith.addf %add3A_38, %get3A_43 : vector<16xf32>
      %get3A_45 = arith.constant 80 : index
      %get3A_46 = tpu.vector_load %arg9[%get3A_45] {strides = array<i32>} : memref<512xf32, #tpu.memory_space<vmem>>, vector<16xf32>,
      %add3A_47 = arith.addf %add3A_41, %get3A_46 : vector<16xf32>
      %get3A_48 = arith.constant 96 : index
      %get3A_49 = tpu.vector_load %arg8[%get3A_48] {strides = array<i32>} : memref<512xf32, #tpu.memory_space<vmem>>, vector<16xf32>,
      %add3A_50 = arith.addf %add3A_44, %get3A_49 : vector<16xf32>
      %get3A_51 = arith.constant 96 : index
      %get3A_52 = tpu.vector_load %arg9[%get3A_51] {strides = array<i32>} : memref<512xf32, #tpu.memory_space<vmem>>, vector<16xf32>,
      %add3A_53 = arith.addf %add3A_47, %get3A_52 : vector<16xf32>
      %get3A_54 = arith.constant 112 : index
      %get3A_55 = tpu.vector_load %arg8[%get3A_54] {strides = array<i32>} : memref<512xf32, #tpu.memory_space<vmem>>, vector<16xf32>,
      %add3A_56 = arith.addf %add3A_50, %get3A_55 : vector<16xf32>
      %get3A_57 = arith.constant 112 : index
      %get3A_58 = tpu.vector_load %arg9[%get3A_57] {strides = array<i32>} : memref<512xf32, #tpu.memory_space<vmem>>, vector<16xf32>,
      %add3A_59 = arith.addf %add3A_53, %get3A_58 : vector<16xf32>
      %get3A_60 = arith.constant 128 : index
      %get3A_61 = tpu.vector_load %arg8[%get3A_60] {strides = array<i32>} : memref<512xf32, #tpu.memory_space<vmem>>, vector<16xf32>,
      %add3A_62 = arith.addf %add3A_56, %get3A_61 : vector<16xf32>
      %get3A_63 = arith.constant 128 : index
      %get3A_64 = tpu.vector_load %arg9[%get3A_63] {strides = array<i32>} : memref<512xf32, #tpu.memory_space<vmem>>, vector<16xf32>,
      %add3A_65 = arith.addf %add3A_59, %get3A_64 : vector<16xf32>
      %get3A_66 = arith.constant 144 : index
      %get3A_67 = tpu.vector_load %arg8[%get3A_66] {strides = array<i32>} : memref<512xf32, #tpu.memory_space<vmem>>, vector<16xf32>,
      %add3A_68 = arith.addf %add3A_62, %get3A_67 : vector<16xf32>
      %get3A_69 = arith.constant 144 : index
      %get3A_70 = tpu.vector_load %arg9[%get3A_69] {strides = array<i32>} : memref<512xf32, #tpu.memory_space<vmem>>, vector<16xf32>,
      %add3A_71 = arith.addf %add3A_65, %get3A_70 : vector<16xf32>
      %get3A_72 = arith.constant 160 : index
      %get3A_73 = tpu.vector_load %arg8[%get3A_72] {strides = array<i32>} : memref<512xf32, #tpu.memory_space<vmem>>, vector<16xf32>,
      %add3A_74 = arith.addf %add3A_68, %get3A_73 : vector<16xf32>
      %get3A_75 = arith.constant 160 : index
      %get3A_76 = tpu.vector_load %arg9[%get3A_75] {strides = array<i32>} : memref<512xf32, #tpu.memory_space<vmem>>, vector<16xf32>,
      %add3A_77 = arith.addf %add3A_71, %get3A_76 : vector<16xf32>
      %get3A_78 = arith.constant 176 : index
      %get3A_79 = tpu.vector_load %arg8[%get3A_78] {strides = array<i32>} : memref<512xf32, #tpu.memory_space<vmem>>, vector<16xf32>,
      %add3A_80 = arith.addf %add3A_74, %get3A_79 : vector<16xf32>
      %get3A_81 = arith.constant 176 : index
      %get3A_82 = tpu.vector_load %arg9[%get3A_81] {strides = array<i32>} : memref<512xf32, #tpu.memory_space<vmem>>, vector<16xf32>,
      %add3A_83 = arith.addf %add3A_77, %get3A_82 : vector<16xf32>
      %get3A_84 = arith.constant 192 : index
      %get3A_85 = tpu.vector_load %arg8[%get3A_84] {strides = array<i32>} : memref<512xf32, #tpu.memory_space<vmem>>, vector<16xf32>,
      %add3A_86 = arith.addf %add3A_80, %get3A_85 : vector<16xf32>
      %get3A_87 = arith.constant 192 : index
      %get3A_88 = tpu.vector_load %arg9[%get3A_87] {strides = array<i32>} : memref<512xf32, #tpu.memory_space<vmem>>, vector<16xf32>,
      %add3A_89 = arith.addf %add3A_83, %get3A_88 : vector<16xf32>
      %get3A_90 = arith.constant 208 : index
      %get3A_91 = tpu.vector_load %arg8[%get3A_90] {strides = array<i32>} : memref<512xf32, #tpu.memory_space<vmem>>, vector<16xf32>,
      %add3A_92 = arith.addf %add3A_86, %get3A_91 : vector<16xf32>
      %get3A_93 = arith.constant 208 : index
      %get3A_94 = tpu.vector_load %arg9[%get3A_93] {strides = array<i32>} : memref<512xf32, #tpu.memory_space<vmem>>, vector<16xf32>,
      %add3A_95 = arith.addf %add3A_89, %get3A_94 : vector<16xf32>
      %get3A_96 = arith.constant 224 : index
      %get3A_97 = tpu.vector_load %arg8[%get3A_96] {strides = array<i32>} : memref<512xf32, #tpu.memory_space<vmem>>, vector<16xf32>,
      %add3A_98 = arith.addf %add3A_92, %get3A_97 : vector<16xf32>
      %get3A_99 = arith.constant 224 : index
      %get3A_100 = tpu.vector_load %arg9[%get3A_99] {strides = array<i32>} : memref<512xf32, #tpu.memory_space<vmem>>, vector<16xf32>,
      %add3A_101 = arith.addf %add3A_95, %get3A_100 : vector<16xf32>
      %get3A_102 = arith.constant 240 : index
      %get3A_103 = tpu.vector_load %arg8[%get3A_102] {strides = array<i32>} : memref<512xf32, #tpu.memory_space<vmem>>, vector<16xf32>,
      %add3A_104 = arith.addf %add3A_98, %get3A_103 : vector<16xf32>
      %get3A_105 = arith.constant 240 : index
      %get3A_106 = tpu.vector_load %arg9[%get3A_105] {strides = array<i32>} : memref<512xf32, #tpu.memory_space<vmem>>, vector<16xf32>,
      %add3A_107 = arith.addf %add3A_101, %get3A_106 : vector<16xf32>
      %get3A_108 = arith.constant 256 : index
      %get3A_109 = tpu.vector_load %arg8[%get3A_108] {strides = array<i32>} : memref<512xf32, #tpu.memory_space<vmem>>, vector<16xf32>,
      %add3A_110 = arith.addf %add3A_104, %get3A_109 : vector<16xf32>
      %get3A_111 = arith.constant 256 : index
      %get3A_112 = tpu.vector_load %arg9[%get3A_111] {strides = array<i32>} : memref<512xf32, #tpu.memory_space<vmem>>, vector<16xf32>,
      %add3A_113 = arith.addf %add3A_107, %get3A_112 : vector<16xf32>
      %get3A_114 = arith.constant 272 : index
      %get3A_115 = tpu.vector_load %arg8[%get3A_114] {strides = array<i32>} : memref<512xf32, #tpu.memory_space<vmem>>, vector<16xf32>,
      %add3A_116 = arith.addf %add3A_110, %get3A_115 : vector<16xf32>
      %get3A_117 = arith.constant 272 : index
      %get3A_118 = tpu.vector_load %arg9[%get3A_117] {strides = array<i32>} : memref<512xf32, #tpu.memory_space<vmem>>, vector<16xf32>,
      %add3A_119 = arith.addf %add3A_113, %get3A_118 : vector<16xf32>
      %get3A_120 = arith.constant 288 : index
      %get3A_121 = tpu.vector_load %arg8[%get3A_120] {strides = array<i32>} : memref<512xf32, #tpu.memory_space<vmem>>, vector<16xf32>,
      %add3A_122 = arith.addf %add3A_116, %get3A_121 : vector<16xf32>
      %get3A_123 = arith.constant 288 : index
      %get3A_124 = tpu.vector_load %arg9[%get3A_123] {strides = array<i32>} : memref<512xf32, #tpu.memory_space<vmem>>, vector<16xf32>,
      %add3A_125 = arith.addf %add3A_119, %get3A_124 : vector<16xf32>
      %get3A_126 = arith.constant 304 : index
      %get3A_127 = tpu.vector_load %arg8[%get3A_126] {strides = array<i32>} : memref<512xf32, #tpu.memory_space<vmem>>, vector<16xf32>,
      %add3A_128 = arith.addf %add3A_122, %get3A_127 : vector<16xf32>
      %get3A_129 = arith.constant 304 : index
      %get3A_130 = tpu.vector_load %arg9[%get3A_129] {strides = array<i32>} : memref<512xf32, #tpu.memory_space<vmem>>, vector<16xf32>,
      %add3A_131 = arith.addf %add3A_125, %get3A_130 : vector<16xf32>
      %get3A_132 = arith.constant 320 : index
      %get3A_133 = tpu.vector_load %arg8[%get3A_132] {strides = array<i32>} : memref<512xf32, #tpu.memory_space<vmem>>, vector<16xf32>,
      %add3A_134 = arith.addf %add3A_128, %get3A_133 : vector<16xf32>
      %get3A_135 = arith.constant 320 : index
      %get3A_136 = tpu.vector_load %arg9[%get3A_135] {strides = array<i32>} : memref<512xf32, #tpu.memory_space<vmem>>, vector<16xf32>,
      %add3A_137 = arith.addf %add3A_131, %get3A_136 : vector<16xf32>
      %get3A_138 = arith.constant 336 : index
      %get3A_139 = tpu.vector_load %arg8[%get3A_138] {strides = array<i32>} : memref<512xf32, #tpu.memory_space<vmem>>, vector<16xf32>,
      %add3A_140 = arith.addf %add3A_134, %get3A_139 : vector<16xf32>
      %get3A_141 = arith.constant 336 : index
      %get3A_142 = tpu.vector_load %arg9[%get3A_141] {strides = array<i32>} : memref<512xf32, #tpu.memory_space<vmem>>, vector<16xf32>,
      %add3A_143 = arith.addf %add3A_137, %get3A_142 : vector<16xf32>
      %get3A_144 = arith.constant 352 : index
      %get3A_145 = tpu.vector_load %arg8[%get3A_144] {strides = array<i32>} : memref<512xf32, #tpu.memory_space<vmem>>, vector<16xf32>,
      %add3A_146 = arith.addf %add3A_140, %get3A_145 : vector<16xf32>
      %get3A_147 = arith.constant 352 : index
      %get3A_148 = tpu.vector_load %arg9[%get3A_147] {strides = array<i32>} : memref<512xf32, #tpu.memory_space<vmem>>, vector<16xf32>,
      %add3A_149 = arith.addf %add3A_143, %get3A_148 : vector<16xf32>
      %get3A_150 = arith.constant 368 : index
      %get3A_151 = tpu.vector_load %arg8[%get3A_150] {strides = array<i32>} : memref<512xf32, #tpu.memory_space<vmem>>, vector<16xf32>,
      %add3A_152 = arith.addf %add3A_146, %get3A_151 : vector<16xf32>
      %get3A_153 = arith.constant 368 : index
      %get3A_154 = tpu.vector_load %arg9[%get3A_153] {strides = array<i32>} : memref<512xf32, #tpu.memory_space<vmem>>, vector<16xf32>,
      %add3A_155 = arith.addf %add3A_149, %get3A_154 : vector<16xf32>
      %get3A_156 = arith.constant 384 : index
      %get3A_157 = tpu.vector_load %arg8[%get3A_156] {strides = array<i32>} : memref<512xf32, #tpu.memory_space<vmem>>, vector<16xf32>,
      %add3A_158 = arith.addf %add3A_152, %get3A_157 : vector<16xf32>
      %get3A_159 = arith.constant 384 : index
      %get3A_160 = tpu.vector_load %arg9[%get3A_159] {strides = array<i32>} : memref<512xf32, #tpu.memory_space<vmem>>, vector<16xf32>,
      %add3A_161 = arith.addf %add3A_155, %get3A_160 : vector<16xf32>
      %get3A_162 = arith.constant 400 : index
      %get3A_163 = tpu.vector_load %arg8[%get3A_162] {strides = array<i32>} : memref<512xf32, #tpu.memory_space<vmem>>, vector<16xf32>,
      %add3A_164 = arith.addf %add3A_158, %get3A_163 : vector<16xf32>
      %get3A_165 = arith.constant 400 : index
      %get3A_166 = tpu.vector_load %arg9[%get3A_165] {strides = array<i32>} : memref<512xf32, #tpu.memory_space<vmem>>, vector<16xf32>,
      %add3A_167 = arith.addf %add3A_161, %get3A_166 : vector<16xf32>
      %get3A_168 = arith.constant 416 : index
      %get3A_169 = tpu.vector_load %arg8[%get3A_168] {strides = array<i32>} : memref<512xf32, #tpu.memory_space<vmem>>, vector<16xf32>,
      %add3A_170 = arith.addf %add3A_164, %get3A_169 : vector<16xf32>
      %get3A_171 = arith.constant 416 : index
      %get3A_172 = tpu.vector_load %arg9[%get3A_171] {strides = array<i32>} : memref<512xf32, #tpu.memory_space<vmem>>, vector<16xf32>,
      %add3A_173 = arith.addf %add3A_167, %get3A_172 : vector<16xf32>
      %get3A_174 = arith.constant 432 : index
      %get3A_175 = tpu.vector_load %arg8[%get3A_174] {strides = array<i32>} : memref<512xf32, #tpu.memory_space<vmem>>, vector<16xf32>,
      %add3A_176 = arith.addf %add3A_170, %get3A_175 : vector<16xf32>
      %get3A_177 = arith.constant 432 : index
      %get3A_178 = tpu.vector_load %arg9[%get3A_177] {strides = array<i32>} : memref<512xf32, #tpu.memory_space<vmem>>, vector<16xf32>,
      %add3A_179 = arith.addf %add3A_173, %get3A_178 : vector<16xf32>
      %get3A_180 = arith.constant 448 : index
      %get3A_181 = tpu.vector_load %arg8[%get3A_180] {strides = array<i32>} : memref<512xf32, #tpu.memory_space<vmem>>, vector<16xf32>,
      %add3A_182 = arith.addf %add3A_176, %get3A_181 : vector<16xf32>
      %get3A_183 = arith.constant 448 : index
      %get3A_184 = tpu.vector_load %arg9[%get3A_183] {strides = array<i32>} : memref<512xf32, #tpu.memory_space<vmem>>, vector<16xf32>,
      %add3A_185 = arith.addf %add3A_179, %get3A_184 : vector<16xf32>
      %get3A_186 = arith.constant 464 : index
      %get3A_187 = tpu.vector_load %arg8[%get3A_186] {strides = array<i32>} : memref<512xf32, #tpu.memory_space<vmem>>, vector<16xf32>,
      %add3A_188 = arith.addf %add3A_182, %get3A_187 : vector<16xf32>
      %get3A_189 = arith.constant 464 : index
      %get3A_190 = tpu.vector_load %arg9[%get3A_189] {strides = array<i32>} : memref<512xf32, #tpu.memory_space<vmem>>, vector<16xf32>,
      %add3A_191 = arith.addf %add3A_185, %get3A_190 : vector<16xf32>
      %get3A_192 = arith.constant 480 : index
      %get3A_193 = tpu.vector_load %arg8[%get3A_192] {strides = array<i32>} : memref<512xf32, #tpu.memory_space<vmem>>, vector<16xf32>,
      %add3A_194 = arith.addf %add3A_188, %get3A_193 : vector<16xf32>
      %get3A_195 = arith.constant 480 : index
      %get3A_196 = tpu.vector_load %arg9[%get3A_195] {strides = array<i32>} : memref<512xf32, #tpu.memory_space<vmem>>, vector<16xf32>,
      %add3A_197 = arith.addf %add3A_191, %get3A_196 : vector<16xf32>
      %get3A_198 = arith.constant 496 : index
      %get3A_199 = tpu.vector_load %arg8[%get3A_198] {strides = array<i32>} : memref<512xf32, #tpu.memory_space<vmem>>, vector<16xf32>,
      %add3A_200 = arith.addf %add3A_194, %get3A_199 : vector<16xf32>
      %get3A_201 = arith.constant 496 : index
      %get3A_202 = tpu.vector_load %arg9[%get3A_201] {strides = array<i32>} : memref<512xf32, #tpu.memory_space<vmem>>, vector<16xf32>,
      %add3A_203 = arith.addf %add3A_197, %get3A_202 : vector<16xf32>
      %reduce_sum3A = arith.constant true
      %reduce_sum3A_204 = vector.broadcast %reduce_sum3A : i1 to vector<16xi1>
      %reduce_sum3A_205 = tpu.scan <sum>, %add3A_200 masked %reduce_sum3A_204 : vector<16xf32>, vector<16xi1> -> vector<16xf32>
      %reduce_sum3A_206 = vector.extract %reduce_sum3A_205[15] : f32 from vector<16xf32>
      %mul3A_207 = arith.constant 7.62939453E-6 : f32
      %mul3A_208 = arith.mulf %reduce_sum3A_206, %mul3A_207 : f32
      %reduce_sum3A_209 = arith.constant true
      %reduce_sum3A_210 = vector.broadcast %reduce_sum3A_209 : i1 to vector<16xi1>
      %reduce_sum3A_211 = tpu.scan <sum>, %add3A_203 masked %reduce_sum3A_210 : vector<16xf32>, vector<16xi1> -> vector<16xf32>
      %reduce_sum3A_212 = vector.extract %reduce_sum3A_211[15] : f32 from vector<16xf32>
      %mul3A_213 = arith.constant 6.10351563E-5 : f32
      %mul3A_214 = arith.mulf %reduce_sum3A_212, %mul3A_213 : f32
      %broadcast_in_dim3A = vector.broadcast %mul3A_208 : f32 to vector<16xf32>
      %swap3A = arith.constant 0 : index
      %swap3A_215 = tpu.vector_load %arg12[%swap3A] {strides = array<i32>} : memref<16xf32, #tpu.memory_space<vmem>>, vector<16xf32>,
      tpu.vector_store %arg12[%swap3A], %broadcast_in_dim3A {strides = array<i32>} : memref<16xf32, #tpu.memory_space<vmem>>, vector<16xf32>,
      %broadcast_in_dim3A_216 = vector.broadcast %mul3A_214 : f32 to vector<16xf32>
      %swap3A_217 = arith.constant 0 : index
      %swap3A_218 = tpu.vector_load %arg13[%swap3A_217] {strides = array<i32>} : memref<16xf32, #tpu.memory_space<vmem>>, vector<16xf32>,
      tpu.vector_store %arg13[%swap3A_217], %broadcast_in_dim3A_216 {strides = array<i32>} : memref<16xf32, #tpu.memory_space<vmem>>, vector<16xf32>,
      "tpu.region"() ({
        %run_scoped3A = tpu.sem_alloc : memref<!tpu.dma_semaphore, #tpu.memory_space<semaphore_mem>>
        tpu.enqueue_dma source(%arg12 : memref<16xf32, #tpu.memory_space<vmem>>) target(%arg6 : memref<16xf32, #tpu.memory_space<hbm>>) target_semaphore(%run_scoped3A : memref<!tpu.dma_semaphore, #tpu.memory_space<semaphore_mem>>)
        tpu.wait_dma2 semaphore(%run_scoped3A : memref<!tpu.dma_semaphore, #tpu.memory_space<semaphore_mem>>) src(%arg12 : memref<16xf32, #tpu.memory_space<vmem>>) dst(%arg6 : memref<16xf32, #tpu.memory_space<hbm>>)
        tpu.yield
      }) : () -> ()
      "tpu.region"() ({
        %run_scoped3A = tpu.sem_alloc : memref<!tpu.dma_semaphore, #tpu.memory_space<semaphore_mem>>
        tpu.enqueue_dma source(%arg13 : memref<16xf32, #tpu.memory_space<vmem>>) target(%arg7 : memref<16xf32, #tpu.memory_space<hbm>>) target_semaphore(%run_scoped3A : memref<!tpu.dma_semaphore, #tpu.memory_space<semaphore_mem>>)
        tpu.wait_dma2 semaphore(%run_scoped3A : memref<!tpu.dma_semaphore, #tpu.memory_space<semaphore_mem>>) src(%arg13 : memref<16xf32, #tpu.memory_space<vmem>>) dst(%arg7 : memref<16xf32, #tpu.memory_space<hbm>>)
        tpu.yield
      }) : () -> ()
    } else {
    }
    return
  }
}

#map = affine_map<(d0, d1) -> (0)>
module attributes {stable_mosaic.version = 14 : i64} {
  func.func @body(%arg0: i32, %arg1: i32, %arg2: memref<2359296xf32, #tpu.memory_space<hbm>>, %arg3: memref<4096xi32, #tpu.memory_space<hbm>>, %arg4: memref<16384xf32, #tpu.memory_space<hbm>>, %arg5: memref<2048xi32, #tpu.memory_space<hbm>>, %arg6: memref<512xf32, #tpu.memory_space<hbm>>, %arg7: memref<512xf32, #tpu.memory_space<hbm>>, %arg8: memref<36864xf32, #tpu.memory_space<vmem>>, %arg9: memref<128xi32, #tpu.memory_space<vmem>>, %arg10: memref<512xf32, #tpu.memory_space<vmem>>, %arg11: memref<64xi32, #tpu.memory_space<vmem>>, %arg12: memref<16xf32, #tpu.memory_space<vmem>>, %arg13: memref<!tpu.dma_semaphore, #tpu.memory_space<semaphore_mem>>) attributes {dimension_semantics = [#tpu.dimension_semantics<core_parallel>, #tpu.dimension_semantics<subcore_parallel>], iteration_bounds = array<i64: 2, 16>, scalar_prefetch = 0 : i64, scratch_operands = 6 : i64, tpu.core_type = #tpu.core_type<sc_vector_subcore>, window_params = [{transform_indices = #map}, {transform_indices = #map}, {transform_indices = #map}, {transform_indices = #map}, {transform_indices = #map}, {transform_indices = #map}]} {
    %mul3A = arith.constant 2 : i32
    %mul3A_0 = arith.muli %arg1, %mul3A : i32
    %add3A = arith.addi %mul3A_0, %arg0 : i32
    %mul3A_1 = arith.constant 64 : i32
    %mul3A_2 = arith.muli %add3A, %mul3A_1 : i32
    %iota3A = tpu.iota {dimensions = array<i32: 0>} : vector<16xi32>
    %mul3A_3 = arith.constant 2 : i32
    %mul3A_4 = arith.muli %mul3A_2, %mul3A_3 : i32
    %multiple_of3A = tpu.assume_multiple %mul3A_4, 128 : i32
    "tpu.region"() ({
      %run_scoped3A = tpu.sem_alloc : memref<!tpu.dma_semaphore, #tpu.memory_space<semaphore_mem>>
      %dma_start3A_32 = tpu.memref_slice %arg3[%multiple_of3A] : memref<4096xi32, #tpu.memory_space<hbm>> -> memref<128xi32, #tpu.memory_space<hbm>>
      %dma_start3A_33 = tpu.memref_slice %arg3[%multiple_of3A] : memref<4096xi32, #tpu.memory_space<hbm>> -> memref<128xi32, #tpu.memory_space<hbm>>
      tpu.enqueue_dma source(%dma_start3A_33 : memref<128xi32, #tpu.memory_space<hbm>>) target(%arg9 : memref<128xi32, #tpu.memory_space<vmem>>) target_semaphore(%run_scoped3A : memref<!tpu.dma_semaphore, #tpu.memory_space<semaphore_mem>>)
      %dma_wait3A = tpu.memref_slice %arg3[%multiple_of3A] : memref<4096xi32, #tpu.memory_space<hbm>> -> memref<128xi32, #tpu.memory_space<hbm>>
      %dma_wait3A_34 = tpu.memref_slice %arg3[%multiple_of3A] : memref<4096xi32, #tpu.memory_space<hbm>> -> memref<128xi32, #tpu.memory_space<hbm>>
      tpu.wait_dma2 semaphore(%run_scoped3A : memref<!tpu.dma_semaphore, #tpu.memory_space<semaphore_mem>>) src(%dma_wait3A_34 : memref<128xi32, #tpu.memory_space<hbm>>) dst(%arg9 : memref<128xi32, #tpu.memory_space<vmem>>)
      tpu.yield
    }) : () -> ()
    %mul3A_5 = arith.constant 1152 : i32
    %mul3A_6 = arith.muli %mul3A_2, %mul3A_5 : i32
    %multiple_of3A_7 = tpu.assume_multiple %mul3A_6, 2048 : i32
    %dma_start3A = arith.constant 0 : i32
    %dma_start3A_8 = tpu.memref_slice %arg8[%dma_start3A] : memref<36864xf32, #tpu.memory_space<vmem>> -> memref<18432xf32, #tpu.memory_space<vmem>>
    %dma_start3A_9 = tpu.memref_slice %arg2[%multiple_of3A_7] : memref<2359296xf32, #tpu.memory_space<hbm>> -> memref<18432xf32, #tpu.memory_space<hbm>>
    %dma_start3A_10 = arith.constant 0 : i32
    %dma_start3A_11 = tpu.memref_slice %arg8[%dma_start3A_10] : memref<36864xf32, #tpu.memory_space<vmem>> -> memref<18432xf32, #tpu.memory_space<vmem>>
    %dma_start3A_12 = tpu.memref_slice %arg2[%multiple_of3A_7] : memref<2359296xf32, #tpu.memory_space<hbm>> -> memref<18432xf32, #tpu.memory_space<hbm>>
    tpu.enqueue_dma source(%dma_start3A_12 : memref<18432xf32, #tpu.memory_space<hbm>>) target(%dma_start3A_11 : memref<18432xf32, #tpu.memory_space<vmem>>) target_semaphore(%arg13 : memref<!tpu.dma_semaphore, #tpu.memory_space<semaphore_mem>>)
    %broadcast_in_dim3A = arith.constant 0.000000e+00 : f32
    %broadcast_in_dim3A_13 = vector.broadcast %broadcast_in_dim3A : f32 to vector<16xf32>
    %scan3A = arith.constant 0 : i32
    %scan3A_14 = arith.constant 4 : i32
    %scan3A_15 = arith.addi %scan3A, %scan3A_14 : i32
    %scan3A_16 = arith.constant 1 : i32
    %scan3A_17:2 = scf.for %scan3A_32 = %scan3A to %scan3A_15 step %scan3A_16 iter_args(%scan3A_33 = %broadcast_in_dim3A_13, %scan3A_34 = %broadcast_in_dim3A_13) -> (vector<16xf32>, vector<16xf32>)  : i32 {
      %rem3A = arith.constant 2 : i32
      %rem3A_35 = arith.remsi %scan3A_32, %rem3A : i32
      %mul3A_36 = arith.constant 18432 : i32
      %mul3A_37 = arith.muli %rem3A_35, %mul3A_36 : i32
      %dma_wait3A = tpu.memref_slice %arg8[%mul3A_37] : memref<36864xf32, #tpu.memory_space<vmem>> -> memref<18432xf32, #tpu.memory_space<vmem>>
      %dma_wait3A_38 = arith.constant 0 : i32
      %dma_wait3A_39 = tpu.memref_slice %arg2[%dma_wait3A_38] : memref<2359296xf32, #tpu.memory_space<hbm>> -> memref<18432xf32, #tpu.memory_space<hbm>>
      %dma_wait3A_40 = tpu.memref_slice %arg8[%mul3A_37] : memref<36864xf32, #tpu.memory_space<vmem>> -> memref<18432xf32, #tpu.memory_space<vmem>>
      %dma_wait3A_41 = arith.constant 0 : i32
      %dma_wait3A_42 = tpu.memref_slice %arg2[%dma_wait3A_41] : memref<2359296xf32, #tpu.memory_space<hbm>> -> memref<18432xf32, #tpu.memory_space<hbm>>
      tpu.wait_dma2 semaphore(%arg13 : memref<!tpu.dma_semaphore, #tpu.memory_space<semaphore_mem>>) src(%dma_wait3A_42 : memref<18432xf32, #tpu.memory_space<hbm>>) dst(%dma_wait3A_40 : memref<18432xf32, #tpu.memory_space<vmem>>)
      %add3A_43 = arith.constant 1 : i32
      %add3A_44 = arith.addi %scan3A_32, %add3A_43 : i32
      %lt3A = arith.constant 4 : i32
      %lt3A_45 = arith.cmpi slt, %add3A_44, %lt3A : i32
      %convert_element_type3A = arith.extui %lt3A_45 : i1 to i32
      %cond3A = arith.constant 0 : i32
      %cond3A_46 = arith.cmpi ne, %convert_element_type3A, %cond3A : i32
      scf.if %cond3A_46 {
        %mul3A_259 = arith.constant 1152 : i32
        %mul3A_260 = arith.muli %mul3A_2, %mul3A_259 : i32
        %add3A_261 = arith.constant 1 : i32
        %add3A_262 = arith.addi %scan3A_32, %add3A_261 : i32
        %mul3A_263 = arith.constant 18432 : i32
        %mul3A_264 = arith.muli %add3A_262, %mul3A_263 : i32
        %add3A_265 = arith.addi %mul3A_260, %mul3A_264 : i32
        %multiple_of3A_266 = tpu.assume_multiple %add3A_265, 2048 : i32
        %sub3A_267 = arith.constant 1 : i32
        %sub3A_268 = arith.subi %sub3A_267, %rem3A_35 : i32
        %mul3A_269 = arith.constant 18432 : i32
        %mul3A_270 = arith.muli %sub3A_268, %mul3A_269 : i32
        %dma_start3A_271 = tpu.memref_slice %arg8[%mul3A_270] : memref<36864xf32, #tpu.memory_space<vmem>> -> memref<18432xf32, #tpu.memory_space<vmem>>
        %dma_start3A_272 = tpu.memref_slice %arg2[%multiple_of3A_266] : memref<2359296xf32, #tpu.memory_space<hbm>> -> memref<18432xf32, #tpu.memory_space<hbm>>
        %dma_start3A_273 = tpu.memref_slice %arg8[%mul3A_270] : memref<36864xf32, #tpu.memory_space<vmem>> -> memref<18432xf32, #tpu.memory_space<vmem>>
        %dma_start3A_274 = tpu.memref_slice %arg2[%multiple_of3A_266] : memref<2359296xf32, #tpu.memory_space<hbm>> -> memref<18432xf32, #tpu.memory_space<hbm>>
        tpu.enqueue_dma source(%dma_start3A_274 : memref<18432xf32, #tpu.memory_space<hbm>>) target(%dma_start3A_273 : memref<18432xf32, #tpu.memory_space<vmem>>) target_semaphore(%arg13 : memref<!tpu.dma_semaphore, #tpu.memory_space<semaphore_mem>>)
      } else {
      }
      %mul3A_47 = arith.constant 1152 : i32
      %mul3A_48 = vector.broadcast %mul3A_47 : i32 to vector<16xi32>
      %mul3A_49 = arith.muli %iota3A, %mul3A_48 : vector<16xi32>
      %add3A_50 = vector.broadcast %mul3A_37 : i32 to vector<16xi32>
      %add3A_51 = arith.addi %mul3A_49, %add3A_50 : vector<16xi32>
      %scan3A_52 = arith.constant 0 : i32
      %scan3A_53 = arith.constant 128 : i32
      %scan3A_54 = arith.addi %scan3A_52, %scan3A_53 : i32
      %scan3A_55 = arith.constant 2 : i32
      %scan3A_56:8 = scf.for %scan3A_259 = %scan3A_52 to %scan3A_54 step %scan3A_55 iter_args(%scan3A_260 = %broadcast_in_dim3A_13, %scan3A_261 = %broadcast_in_dim3A_13, %scan3A_262 = %broadcast_in_dim3A_13, %scan3A_263 = %broadcast_in_dim3A_13, %scan3A_264 = %broadcast_in_dim3A_13, %scan3A_265 = %broadcast_in_dim3A_13, %scan3A_266 = %broadcast_in_dim3A_13, %scan3A_267 = %broadcast_in_dim3A_13) -> (vector<16xf32>, vector<16xf32>, vector<16xf32>, vector<16xf32>, vector<16xf32>, vector<16xf32>, vector<16xf32>, vector<16xf32>)  : i32 {
        %add3A_268 = vector.broadcast %scan3A_259 : i32 to vector<16xi32>
        %add3A_269 = arith.addi %add3A_51, %add3A_268 : vector<16xi32>
        %add3A_270 = arith.constant 1024 : i32
        %add3A_271 = vector.broadcast %add3A_270 : i32 to vector<16xi32>
        %add3A_272 = arith.addi %add3A_269, %add3A_271 : vector<16xi32>
        %gather3A_273 = tpu.vector_load_idx %arg8[%add3A_272] : memref<36864xf32, #tpu.memory_space<vmem>>[vector<16xi32>], vector<16xf32>,
        %add3A_274 = arith.constant 0 : i32
        %add3A_275 = vector.broadcast %add3A_274 : i32 to vector<16xi32>
        %add3A_276 = arith.addi %add3A_269, %add3A_275 : vector<16xi32>
        %gather3A_277 = tpu.vector_load_idx %arg8[%add3A_276] : memref<36864xf32, #tpu.memory_space<vmem>>[vector<16xi32>], vector<16xf32>,
        %sub3A_278 = arith.subf %gather3A_277, %gather3A_273 : vector<16xf32>
        %mul3A_279 = arith.mulf %sub3A_278, %sub3A_278 : vector<16xf32>
        %add3A_280 = arith.addf %scan3A_260, %mul3A_279 : vector<16xf32>
        %add3A_281 = arith.constant 128 : i32
        %add3A_282 = vector.broadcast %add3A_281 : i32 to vector<16xi32>
        %add3A_283 = arith.addi %add3A_269, %add3A_282 : vector<16xi32>
        %gather3A_284 = tpu.vector_load_idx %arg8[%add3A_283] : memref<36864xf32, #tpu.memory_space<vmem>>[vector<16xi32>], vector<16xf32>,
        %sub3A_285 = arith.subf %gather3A_284, %gather3A_273 : vector<16xf32>
        %mul3A_286 = arith.mulf %sub3A_285, %sub3A_285 : vector<16xf32>
        %add3A_287 = arith.addf %scan3A_261, %mul3A_286 : vector<16xf32>
        %add3A_288 = arith.constant 256 : i32
        %add3A_289 = vector.broadcast %add3A_288 : i32 to vector<16xi32>
        %add3A_290 = arith.addi %add3A_269, %add3A_289 : vector<16xi32>
        %gather3A_291 = tpu.vector_load_idx %arg8[%add3A_290] : memref<36864xf32, #tpu.memory_space<vmem>>[vector<16xi32>], vector<16xf32>,
        %sub3A_292 = arith.subf %gather3A_291, %gather3A_273 : vector<16xf32>
        %mul3A_293 = arith.mulf %sub3A_292, %sub3A_292 : vector<16xf32>
        %add3A_294 = arith.addf %scan3A_262, %mul3A_293 : vector<16xf32>
        %add3A_295 = arith.constant 384 : i32
        %add3A_296 = vector.broadcast %add3A_295 : i32 to vector<16xi32>
        %add3A_297 = arith.addi %add3A_269, %add3A_296 : vector<16xi32>
        %gather3A_298 = tpu.vector_load_idx %arg8[%add3A_297] : memref<36864xf32, #tpu.memory_space<vmem>>[vector<16xi32>], vector<16xf32>,
        %sub3A_299 = arith.subf %gather3A_298, %gather3A_273 : vector<16xf32>
        %mul3A_300 = arith.mulf %sub3A_299, %sub3A_299 : vector<16xf32>
        %add3A_301 = arith.addf %scan3A_263, %mul3A_300 : vector<16xf32>
        %add3A_302 = arith.constant 512 : i32
        %add3A_303 = vector.broadcast %add3A_302 : i32 to vector<16xi32>
        %add3A_304 = arith.addi %add3A_269, %add3A_303 : vector<16xi32>
        %gather3A_305 = tpu.vector_load_idx %arg8[%add3A_304] : memref<36864xf32, #tpu.memory_space<vmem>>[vector<16xi32>], vector<16xf32>,
        %sub3A_306 = arith.subf %gather3A_305, %gather3A_273 : vector<16xf32>
        %mul3A_307 = arith.mulf %sub3A_306, %sub3A_306 : vector<16xf32>
        %add3A_308 = arith.addf %scan3A_264, %mul3A_307 : vector<16xf32>
        %add3A_309 = arith.constant 640 : i32
        %add3A_310 = vector.broadcast %add3A_309 : i32 to vector<16xi32>
        %add3A_311 = arith.addi %add3A_269, %add3A_310 : vector<16xi32>
        %gather3A_312 = tpu.vector_load_idx %arg8[%add3A_311] : memref<36864xf32, #tpu.memory_space<vmem>>[vector<16xi32>], vector<16xf32>,
        %sub3A_313 = arith.subf %gather3A_312, %gather3A_273 : vector<16xf32>
        %mul3A_314 = arith.mulf %sub3A_313, %sub3A_313 : vector<16xf32>
        %add3A_315 = arith.addf %scan3A_265, %mul3A_314 : vector<16xf32>
        %add3A_316 = arith.constant 768 : i32
        %add3A_317 = vector.broadcast %add3A_316 : i32 to vector<16xi32>
        %add3A_318 = arith.addi %add3A_269, %add3A_317 : vector<16xi32>
        %gather3A_319 = tpu.vector_load_idx %arg8[%add3A_318] : memref<36864xf32, #tpu.memory_space<vmem>>[vector<16xi32>], vector<16xf32>,
        %sub3A_320 = arith.subf %gather3A_319, %gather3A_273 : vector<16xf32>
        %mul3A_321 = arith.mulf %sub3A_320, %sub3A_320 : vector<16xf32>
        %add3A_322 = arith.addf %scan3A_266, %mul3A_321 : vector<16xf32>
        %add3A_323 = arith.constant 896 : i32
        %add3A_324 = vector.broadcast %add3A_323 : i32 to vector<16xi32>
        %add3A_325 = arith.addi %add3A_269, %add3A_324 : vector<16xi32>
        %gather3A_326 = tpu.vector_load_idx %arg8[%add3A_325] : memref<36864xf32, #tpu.memory_space<vmem>>[vector<16xi32>], vector<16xf32>,
        %sub3A_327 = arith.subf %gather3A_326, %gather3A_273 : vector<16xf32>
        %mul3A_328 = arith.mulf %sub3A_327, %sub3A_327 : vector<16xf32>
        %add3A_329 = arith.addf %scan3A_267, %mul3A_328 : vector<16xf32>
        %scan3A_330 = arith.constant 1 : i32
        %scan3A_331 = arith.addi %scan3A_259, %scan3A_330 : i32
        %add3A_332 = vector.broadcast %scan3A_331 : i32 to vector<16xi32>
        %add3A_333 = arith.addi %add3A_51, %add3A_332 : vector<16xi32>
        %add3A_334 = arith.constant 1024 : i32
        %add3A_335 = vector.broadcast %add3A_334 : i32 to vector<16xi32>
        %add3A_336 = arith.addi %add3A_333, %add3A_335 : vector<16xi32>
        %gather3A_337 = tpu.vector_load_idx %arg8[%add3A_336] : memref<36864xf32, #tpu.memory_space<vmem>>[vector<16xi32>], vector<16xf32>,
        %add3A_338 = arith.constant 0 : i32
        %add3A_339 = vector.broadcast %add3A_338 : i32 to vector<16xi32>
        %add3A_340 = arith.addi %add3A_333, %add3A_339 : vector<16xi32>
        %gather3A_341 = tpu.vector_load_idx %arg8[%add3A_340] : memref<36864xf32, #tpu.memory_space<vmem>>[vector<16xi32>], vector<16xf32>,
        %sub3A_342 = arith.subf %gather3A_341, %gather3A_337 : vector<16xf32>
        %mul3A_343 = arith.mulf %sub3A_342, %sub3A_342 : vector<16xf32>
        %add3A_344 = arith.addf %add3A_280, %mul3A_343 : vector<16xf32>
        %add3A_345 = arith.constant 128 : i32
        %add3A_346 = vector.broadcast %add3A_345 : i32 to vector<16xi32>
        %add3A_347 = arith.addi %add3A_333, %add3A_346 : vector<16xi32>
        %gather3A_348 = tpu.vector_load_idx %arg8[%add3A_347] : memref<36864xf32, #tpu.memory_space<vmem>>[vector<16xi32>], vector<16xf32>,
        %sub3A_349 = arith.subf %gather3A_348, %gather3A_337 : vector<16xf32>
        %mul3A_350 = arith.mulf %sub3A_349, %sub3A_349 : vector<16xf32>
        %add3A_351 = arith.addf %add3A_287, %mul3A_350 : vector<16xf32>
        %add3A_352 = arith.constant 256 : i32
        %add3A_353 = vector.broadcast %add3A_352 : i32 to vector<16xi32>
        %add3A_354 = arith.addi %add3A_333, %add3A_353 : vector<16xi32>
        %gather3A_355 = tpu.vector_load_idx %arg8[%add3A_354] : memref<36864xf32, #tpu.memory_space<vmem>>[vector<16xi32>], vector<16xf32>,
        %sub3A_356 = arith.subf %gather3A_355, %gather3A_337 : vector<16xf32>
        %mul3A_357 = arith.mulf %sub3A_356, %sub3A_356 : vector<16xf32>
        %add3A_358 = arith.addf %add3A_294, %mul3A_357 : vector<16xf32>
        %add3A_359 = arith.constant 384 : i32
        %add3A_360 = vector.broadcast %add3A_359 : i32 to vector<16xi32>
        %add3A_361 = arith.addi %add3A_333, %add3A_360 : vector<16xi32>
        %gather3A_362 = tpu.vector_load_idx %arg8[%add3A_361] : memref<36864xf32, #tpu.memory_space<vmem>>[vector<16xi32>], vector<16xf32>,
        %sub3A_363 = arith.subf %gather3A_362, %gather3A_337 : vector<16xf32>
        %mul3A_364 = arith.mulf %sub3A_363, %sub3A_363 : vector<16xf32>
        %add3A_365 = arith.addf %add3A_301, %mul3A_364 : vector<16xf32>
        %add3A_366 = arith.constant 512 : i32
        %add3A_367 = vector.broadcast %add3A_366 : i32 to vector<16xi32>
        %add3A_368 = arith.addi %add3A_333, %add3A_367 : vector<16xi32>
        %gather3A_369 = tpu.vector_load_idx %arg8[%add3A_368] : memref<36864xf32, #tpu.memory_space<vmem>>[vector<16xi32>], vector<16xf32>,
        %sub3A_370 = arith.subf %gather3A_369, %gather3A_337 : vector<16xf32>
        %mul3A_371 = arith.mulf %sub3A_370, %sub3A_370 : vector<16xf32>
        %add3A_372 = arith.addf %add3A_308, %mul3A_371 : vector<16xf32>
        %add3A_373 = arith.constant 640 : i32
        %add3A_374 = vector.broadcast %add3A_373 : i32 to vector<16xi32>
        %add3A_375 = arith.addi %add3A_333, %add3A_374 : vector<16xi32>
        %gather3A_376 = tpu.vector_load_idx %arg8[%add3A_375] : memref<36864xf32, #tpu.memory_space<vmem>>[vector<16xi32>], vector<16xf32>,
        %sub3A_377 = arith.subf %gather3A_376, %gather3A_337 : vector<16xf32>
        %mul3A_378 = arith.mulf %sub3A_377, %sub3A_377 : vector<16xf32>
        %add3A_379 = arith.addf %add3A_315, %mul3A_378 : vector<16xf32>
        %add3A_380 = arith.constant 768 : i32
        %add3A_381 = vector.broadcast %add3A_380 : i32 to vector<16xi32>
        %add3A_382 = arith.addi %add3A_333, %add3A_381 : vector<16xi32>
        %gather3A_383 = tpu.vector_load_idx %arg8[%add3A_382] : memref<36864xf32, #tpu.memory_space<vmem>>[vector<16xi32>], vector<16xf32>,
        %sub3A_384 = arith.subf %gather3A_383, %gather3A_337 : vector<16xf32>
        %mul3A_385 = arith.mulf %sub3A_384, %sub3A_384 : vector<16xf32>
        %add3A_386 = arith.addf %add3A_322, %mul3A_385 : vector<16xf32>
        %add3A_387 = arith.constant 896 : i32
        %add3A_388 = vector.broadcast %add3A_387 : i32 to vector<16xi32>
        %add3A_389 = arith.addi %add3A_333, %add3A_388 : vector<16xi32>
        %gather3A_390 = tpu.vector_load_idx %arg8[%add3A_389] : memref<36864xf32, #tpu.memory_space<vmem>>[vector<16xi32>], vector<16xf32>,
        %sub3A_391 = arith.subf %gather3A_390, %gather3A_337 : vector<16xf32>
        %mul3A_392 = arith.mulf %sub3A_391, %sub3A_391 : vector<16xf32>
        %add3A_393 = arith.addf %add3A_329, %mul3A_392 : vector<16xf32>
        scf.yield %add3A_344, %add3A_351, %add3A_358, %add3A_365, %add3A_372, %add3A_379, %add3A_386, %add3A_393 : vector<16xf32>, vector<16xf32>, vector<16xf32>, vector<16xf32>, vector<16xf32>, vector<16xf32>, vector<16xf32>, vector<16xf32>
      }
      %scan3A_57 = arith.constant 128 : i32
      %mul3A_58 = arith.constant 32 : i32
      %mul3A_59 = arith.muli %scan3A_32, %mul3A_58 : i32
      %mul3A_60 = arith.constant 2 : i32
      %mul3A_61 = vector.broadcast %mul3A_60 : i32 to vector<16xi32>
      %mul3A_62 = arith.muli %iota3A, %mul3A_61 : vector<16xi32>
      %add3A_63 = vector.broadcast %mul3A_59 : i32 to vector<16xi32>
      %add3A_64 = arith.addi %add3A_63, %mul3A_62 : vector<16xi32>
      %gather3A = tpu.vector_load_idx %arg9[%add3A_64] : memref<128xi32, #tpu.memory_space<vmem>>[vector<16xi32>], vector<16xi32>,
      %sub3A = arith.constant 8 : i32
      %sub3A_65 = vector.broadcast %sub3A : i32 to vector<16xi32>
      %sub3A_66 = arith.subi %gather3A, %sub3A_65 : vector<16xi32>
      %broadcast_in_dim3A_67 = arith.constant 0 : i32
      %broadcast_in_dim3A_68 = vector.broadcast %broadcast_in_dim3A_67 : i32 to vector<16xi32>
      %eq3A = arith.constant 0 : i32
      %eq3A_69 = vector.broadcast %eq3A : i32 to vector<16xi32>
      %eq3A_70 = arith.cmpi eq, %sub3A_66, %eq3A_69 : vector<16xi32>
      %jit3A = arith.constant 0.000000e+00 : f32
      %broadcast_in_dim3A_71 = vector.broadcast %jit3A : f32 to vector<16xf32>
      %select_n3A = arith.select %eq3A_70, %scan3A_56#0, %broadcast_in_dim3A_71 : vector<16xi1>, vector<16xf32>
      %lt3A_72 = arith.cmpf olt, %scan3A_56#1, %scan3A_56#0 : vector<16xf32>
      %jit3A_73 = arith.constant 1 : i32
      %broadcast_in_dim3A_74 = vector.broadcast %jit3A_73 : i32 to vector<16xi32>
      %select_n3A_75 = arith.select %lt3A_72, %broadcast_in_dim3A_74, %broadcast_in_dim3A_68 : vector<16xi1>, vector<16xi32>
      %select_n3A_76 = arith.select %lt3A_72, %scan3A_56#1, %scan3A_56#0 : vector<16xi1>, vector<16xf32>
      %add3A_77 = arith.addf %scan3A_56#0, %scan3A_56#1 : vector<16xf32>
      %eq3A_78 = arith.constant 1 : i32
      %eq3A_79 = vector.broadcast %eq3A_78 : i32 to vector<16xi32>
      %eq3A_80 = arith.cmpi eq, %sub3A_66, %eq3A_79 : vector<16xi32>
      %jit3A_81 = arith.constant 0.000000e+00 : f32
      %broadcast_in_dim3A_82 = vector.broadcast %jit3A_81 : f32 to vector<16xf32>
      %select_n3A_83 = arith.select %eq3A_80, %scan3A_56#1, %broadcast_in_dim3A_82 : vector<16xi1>, vector<16xf32>
      %add3A_84 = arith.addf %select_n3A, %select_n3A_83 : vector<16xf32>
      %lt3A_85 = arith.cmpf olt, %scan3A_56#2, %select_n3A_76 : vector<16xf32>
      %jit3A_86 = arith.constant 2 : i32
      %broadcast_in_dim3A_87 = vector.broadcast %jit3A_86 : i32 to vector<16xi32>
      %select_n3A_88 = arith.select %lt3A_85, %broadcast_in_dim3A_87, %select_n3A_75 : vector<16xi1>, vector<16xi32>
      %select_n3A_89 = arith.select %lt3A_85, %scan3A_56#2, %select_n3A_76 : vector<16xi1>, vector<16xf32>
      %add3A_90 = arith.addf %add3A_77, %scan3A_56#2 : vector<16xf32>
      %eq3A_91 = arith.constant 2 : i32
      %eq3A_92 = vector.broadcast %eq3A_91 : i32 to vector<16xi32>
      %eq3A_93 = arith.cmpi eq, %sub3A_66, %eq3A_92 : vector<16xi32>
      %jit3A_94 = arith.constant 0.000000e+00 : f32
      %broadcast_in_dim3A_95 = vector.broadcast %jit3A_94 : f32 to vector<16xf32>
      %select_n3A_96 = arith.select %eq3A_93, %scan3A_56#2, %broadcast_in_dim3A_95 : vector<16xi1>, vector<16xf32>
      %add3A_97 = arith.addf %add3A_84, %select_n3A_96 : vector<16xf32>
      %lt3A_98 = arith.cmpf olt, %scan3A_56#3, %select_n3A_89 : vector<16xf32>
      %jit3A_99 = arith.constant 3 : i32
      %broadcast_in_dim3A_100 = vector.broadcast %jit3A_99 : i32 to vector<16xi32>
      %select_n3A_101 = arith.select %lt3A_98, %broadcast_in_dim3A_100, %select_n3A_88 : vector<16xi1>, vector<16xi32>
      %select_n3A_102 = arith.select %lt3A_98, %scan3A_56#3, %select_n3A_89 : vector<16xi1>, vector<16xf32>
      %add3A_103 = arith.addf %add3A_90, %scan3A_56#3 : vector<16xf32>
      %eq3A_104 = arith.constant 3 : i32
      %eq3A_105 = vector.broadcast %eq3A_104 : i32 to vector<16xi32>
      %eq3A_106 = arith.cmpi eq, %sub3A_66, %eq3A_105 : vector<16xi32>
      %jit3A_107 = arith.constant 0.000000e+00 : f32
      %broadcast_in_dim3A_108 = vector.broadcast %jit3A_107 : f32 to vector<16xf32>
      %select_n3A_109 = arith.select %eq3A_106, %scan3A_56#3, %broadcast_in_dim3A_108 : vector<16xi1>, vector<16xf32>
      %add3A_110 = arith.addf %add3A_97, %select_n3A_109 : vector<16xf32>
      %lt3A_111 = arith.cmpf olt, %scan3A_56#4, %select_n3A_102 : vector<16xf32>
      %jit3A_112 = arith.constant 4 : i32
      %broadcast_in_dim3A_113 = vector.broadcast %jit3A_112 : i32 to vector<16xi32>
      %select_n3A_114 = arith.select %lt3A_111, %broadcast_in_dim3A_113, %select_n3A_101 : vector<16xi1>, vector<16xi32>
      %select_n3A_115 = arith.select %lt3A_111, %scan3A_56#4, %select_n3A_102 : vector<16xi1>, vector<16xf32>
      %add3A_116 = arith.addf %add3A_103, %scan3A_56#4 : vector<16xf32>
      %eq3A_117 = arith.constant 4 : i32
      %eq3A_118 = vector.broadcast %eq3A_117 : i32 to vector<16xi32>
      %eq3A_119 = arith.cmpi eq, %sub3A_66, %eq3A_118 : vector<16xi32>
      %jit3A_120 = arith.constant 0.000000e+00 : f32
      %broadcast_in_dim3A_121 = vector.broadcast %jit3A_120 : f32 to vector<16xf32>
      %select_n3A_122 = arith.select %eq3A_119, %scan3A_56#4, %broadcast_in_dim3A_121 : vector<16xi1>, vector<16xf32>
      %add3A_123 = arith.addf %add3A_110, %select_n3A_122 : vector<16xf32>
      %lt3A_124 = arith.cmpf olt, %scan3A_56#5, %select_n3A_115 : vector<16xf32>
      %jit3A_125 = arith.constant 5 : i32
      %broadcast_in_dim3A_126 = vector.broadcast %jit3A_125 : i32 to vector<16xi32>
      %select_n3A_127 = arith.select %lt3A_124, %broadcast_in_dim3A_126, %select_n3A_114 : vector<16xi1>, vector<16xi32>
      %select_n3A_128 = arith.select %lt3A_124, %scan3A_56#5, %select_n3A_115 : vector<16xi1>, vector<16xf32>
      %add3A_129 = arith.addf %add3A_116, %scan3A_56#5 : vector<16xf32>
      %eq3A_130 = arith.constant 5 : i32
      %eq3A_131 = vector.broadcast %eq3A_130 : i32 to vector<16xi32>
      %eq3A_132 = arith.cmpi eq, %sub3A_66, %eq3A_131 : vector<16xi32>
      %jit3A_133 = arith.constant 0.000000e+00 : f32
      %broadcast_in_dim3A_134 = vector.broadcast %jit3A_133 : f32 to vector<16xf32>
      %select_n3A_135 = arith.select %eq3A_132, %scan3A_56#5, %broadcast_in_dim3A_134 : vector<16xi1>, vector<16xf32>
      %add3A_136 = arith.addf %add3A_123, %select_n3A_135 : vector<16xf32>
      %lt3A_137 = arith.cmpf olt, %scan3A_56#6, %select_n3A_128 : vector<16xf32>
      %jit3A_138 = arith.constant 6 : i32
      %broadcast_in_dim3A_139 = vector.broadcast %jit3A_138 : i32 to vector<16xi32>
      %select_n3A_140 = arith.select %lt3A_137, %broadcast_in_dim3A_139, %select_n3A_127 : vector<16xi1>, vector<16xi32>
      %select_n3A_141 = arith.select %lt3A_137, %scan3A_56#6, %select_n3A_128 : vector<16xi1>, vector<16xf32>
      %add3A_142 = arith.addf %add3A_129, %scan3A_56#6 : vector<16xf32>
      %eq3A_143 = arith.constant 6 : i32
      %eq3A_144 = vector.broadcast %eq3A_143 : i32 to vector<16xi32>
      %eq3A_145 = arith.cmpi eq, %sub3A_66, %eq3A_144 : vector<16xi32>
      %jit3A_146 = arith.constant 0.000000e+00 : f32
      %broadcast_in_dim3A_147 = vector.broadcast %jit3A_146 : f32 to vector<16xf32>
      %select_n3A_148 = arith.select %eq3A_145, %scan3A_56#6, %broadcast_in_dim3A_147 : vector<16xi1>, vector<16xf32>
      %add3A_149 = arith.addf %add3A_136, %select_n3A_148 : vector<16xf32>
      %lt3A_150 = arith.cmpf olt, %scan3A_56#7, %select_n3A_141 : vector<16xf32>
      %jit3A_151 = arith.constant 7 : i32
      %broadcast_in_dim3A_152 = vector.broadcast %jit3A_151 : i32 to vector<16xi32>
      %select_n3A_153 = arith.select %lt3A_150, %broadcast_in_dim3A_152, %select_n3A_140 : vector<16xi1>, vector<16xi32>
      %select_n3A_154 = arith.select %lt3A_150, %scan3A_56#7, %select_n3A_141 : vector<16xi1>, vector<16xf32>
      %add3A_155 = arith.addf %add3A_142, %scan3A_56#7 : vector<16xf32>
      %eq3A_156 = arith.constant 7 : i32
      %eq3A_157 = vector.broadcast %eq3A_156 : i32 to vector<16xi32>
      %eq3A_158 = arith.cmpi eq, %sub3A_66, %eq3A_157 : vector<16xi32>
      %jit3A_159 = arith.constant 0.000000e+00 : f32
      %broadcast_in_dim3A_160 = vector.broadcast %jit3A_159 : f32 to vector<16xf32>
      %select_n3A_161 = arith.select %eq3A_158, %scan3A_56#7, %broadcast_in_dim3A_160 : vector<16xi1>, vector<16xf32>
      %add3A_162 = arith.addf %add3A_149, %select_n3A_161 : vector<16xf32>
      %mul3A_163 = arith.constant 2.000000e+00 : f32
      %mul3A_164 = vector.broadcast %mul3A_163 : f32 to vector<16xf32>
      %mul3A_165 = arith.mulf %mul3A_164, %add3A_162 : vector<16xf32>
      %sub3A_166 = arith.subf %mul3A_165, %add3A_155 : vector<16xf32>
      %add3A_167 = arith.addf %scan3A_33, %sub3A_166 : vector<16xf32>
      %eq3A_168 = arith.cmpi eq, %select_n3A_153, %sub3A_66 : vector<16xi32>
      %jit3A_169 = arith.constant 1.000000e+00 : f32
      %jit3A_170 = arith.constant 0.000000e+00 : f32
      %broadcast_in_dim3A_171 = vector.broadcast %jit3A_169 : f32 to vector<16xf32>
      %broadcast_in_dim3A_172 = vector.broadcast %jit3A_170 : f32 to vector<16xf32>
      %select_n3A_173 = arith.select %eq3A_168, %broadcast_in_dim3A_171, %broadcast_in_dim3A_172 : vector<16xi1>, vector<16xf32>
      %add3A_174 = arith.addf %scan3A_34, %select_n3A_173 : vector<16xf32>
      %mul3A_175 = arith.constant 128 : i32
      %mul3A_176 = arith.muli %scan3A_32, %mul3A_175 : i32
      %mul3A_177 = arith.constant 8 : i32
      %mul3A_178 = vector.broadcast %mul3A_177 : i32 to vector<16xi32>
      %mul3A_179 = arith.muli %iota3A, %mul3A_178 : vector<16xi32>
      %add3A_180 = vector.broadcast %mul3A_176 : i32 to vector<16xi32>
      %add3A_181 = arith.addi %add3A_180, %mul3A_179 : vector<16xi32>
      %add3A_182 = arith.constant 0 : i32
      %add3A_183 = vector.broadcast %add3A_182 : i32 to vector<16xi32>
      %add3A_184 = arith.addi %add3A_181, %add3A_183 : vector<16xi32>
      tpu.vector_store_idx %arg10[%add3A_184], %scan3A_56#0 : memref<512xf32, #tpu.memory_space<vmem>>[vector<16xi32>], vector<16xf32>,
      %mul3A_185 = arith.constant 128 : i32
      %mul3A_186 = arith.muli %scan3A_32, %mul3A_185 : i32
      %mul3A_187 = arith.constant 8 : i32
      %mul3A_188 = vector.broadcast %mul3A_187 : i32 to vector<16xi32>
      %mul3A_189 = arith.muli %iota3A, %mul3A_188 : vector<16xi32>
      %add3A_190 = vector.broadcast %mul3A_186 : i32 to vector<16xi32>
      %add3A_191 = arith.addi %add3A_190, %mul3A_189 : vector<16xi32>
      %add3A_192 = arith.constant 1 : i32
      %add3A_193 = vector.broadcast %add3A_192 : i32 to vector<16xi32>
      %add3A_194 = arith.addi %add3A_191, %add3A_193 : vector<16xi32>
      tpu.vector_store_idx %arg10[%add3A_194], %scan3A_56#1 : memref<512xf32, #tpu.memory_space<vmem>>[vector<16xi32>], vector<16xf32>,
      %mul3A_195 = arith.constant 128 : i32
      %mul3A_196 = arith.muli %scan3A_32, %mul3A_195 : i32
      %mul3A_197 = arith.constant 8 : i32
      %mul3A_198 = vector.broadcast %mul3A_197 : i32 to vector<16xi32>
      %mul3A_199 = arith.muli %iota3A, %mul3A_198 : vector<16xi32>
      %add3A_200 = vector.broadcast %mul3A_196 : i32 to vector<16xi32>
      %add3A_201 = arith.addi %add3A_200, %mul3A_199 : vector<16xi32>
      %add3A_202 = arith.constant 2 : i32
      %add3A_203 = vector.broadcast %add3A_202 : i32 to vector<16xi32>
      %add3A_204 = arith.addi %add3A_201, %add3A_203 : vector<16xi32>
      tpu.vector_store_idx %arg10[%add3A_204], %scan3A_56#2 : memref<512xf32, #tpu.memory_space<vmem>>[vector<16xi32>], vector<16xf32>,
      %mul3A_205 = arith.constant 128 : i32
      %mul3A_206 = arith.muli %scan3A_32, %mul3A_205 : i32
      %mul3A_207 = arith.constant 8 : i32
      %mul3A_208 = vector.broadcast %mul3A_207 : i32 to vector<16xi32>
      %mul3A_209 = arith.muli %iota3A, %mul3A_208 : vector<16xi32>
      %add3A_210 = vector.broadcast %mul3A_206 : i32 to vector<16xi32>
      %add3A_211 = arith.addi %add3A_210, %mul3A_209 : vector<16xi32>
      %add3A_212 = arith.constant 3 : i32
      %add3A_213 = vector.broadcast %add3A_212 : i32 to vector<16xi32>
      %add3A_214 = arith.addi %add3A_211, %add3A_213 : vector<16xi32>
      tpu.vector_store_idx %arg10[%add3A_214], %scan3A_56#3 : memref<512xf32, #tpu.memory_space<vmem>>[vector<16xi32>], vector<16xf32>,
      %mul3A_215 = arith.constant 128 : i32
      %mul3A_216 = arith.muli %scan3A_32, %mul3A_215 : i32
      %mul3A_217 = arith.constant 8 : i32
      %mul3A_218 = vector.broadcast %mul3A_217 : i32 to vector<16xi32>
      %mul3A_219 = arith.muli %iota3A, %mul3A_218 : vector<16xi32>
      %add3A_220 = vector.broadcast %mul3A_216 : i32 to vector<16xi32>
      %add3A_221 = arith.addi %add3A_220, %mul3A_219 : vector<16xi32>
      %add3A_222 = arith.constant 4 : i32
      %add3A_223 = vector.broadcast %add3A_222 : i32 to vector<16xi32>
      %add3A_224 = arith.addi %add3A_221, %add3A_223 : vector<16xi32>
      tpu.vector_store_idx %arg10[%add3A_224], %scan3A_56#4 : memref<512xf32, #tpu.memory_space<vmem>>[vector<16xi32>], vector<16xf32>,
      %mul3A_225 = arith.constant 128 : i32
      %mul3A_226 = arith.muli %scan3A_32, %mul3A_225 : i32
      %mul3A_227 = arith.constant 8 : i32
      %mul3A_228 = vector.broadcast %mul3A_227 : i32 to vector<16xi32>
      %mul3A_229 = arith.muli %iota3A, %mul3A_228 : vector<16xi32>
      %add3A_230 = vector.broadcast %mul3A_226 : i32 to vector<16xi32>
      %add3A_231 = arith.addi %add3A_230, %mul3A_229 : vector<16xi32>
      %add3A_232 = arith.constant 5 : i32
      %add3A_233 = vector.broadcast %add3A_232 : i32 to vector<16xi32>
      %add3A_234 = arith.addi %add3A_231, %add3A_233 : vector<16xi32>
      tpu.vector_store_idx %arg10[%add3A_234], %scan3A_56#5 : memref<512xf32, #tpu.memory_space<vmem>>[vector<16xi32>], vector<16xf32>,
      %mul3A_235 = arith.constant 128 : i32
      %mul3A_236 = arith.muli %scan3A_32, %mul3A_235 : i32
      %mul3A_237 = arith.constant 8 : i32
      %mul3A_238 = vector.broadcast %mul3A_237 : i32 to vector<16xi32>
      %mul3A_239 = arith.muli %iota3A, %mul3A_238 : vector<16xi32>
      %add3A_240 = vector.broadcast %mul3A_236 : i32 to vector<16xi32>
      %add3A_241 = arith.addi %add3A_240, %mul3A_239 : vector<16xi32>
      %add3A_242 = arith.constant 6 : i32
      %add3A_243 = vector.broadcast %add3A_242 : i32 to vector<16xi32>
      %add3A_244 = arith.addi %add3A_241, %add3A_243 : vector<16xi32>
      tpu.vector_store_idx %arg10[%add3A_244], %scan3A_56#6 : memref<512xf32, #tpu.memory_space<vmem>>[vector<16xi32>], vector<16xf32>,
      %mul3A_245 = arith.constant 128 : i32
      %mul3A_246 = arith.muli %scan3A_32, %mul3A_245 : i32
      %mul3A_247 = arith.constant 8 : i32
      %mul3A_248 = vector.broadcast %mul3A_247 : i32 to vector<16xi32>
      %mul3A_249 = arith.muli %iota3A, %mul3A_248 : vector<16xi32>
      %add3A_250 = vector.broadcast %mul3A_246 : i32 to vector<16xi32>
      %add3A_251 = arith.addi %add3A_250, %mul3A_249 : vector<16xi32>
      %add3A_252 = arith.constant 7 : i32
      %add3A_253 = vector.broadcast %add3A_252 : i32 to vector<16xi32>
      %add3A_254 = arith.addi %add3A_251, %add3A_253 : vector<16xi32>
      tpu.vector_store_idx %arg10[%add3A_254], %scan3A_56#7 : memref<512xf32, #tpu.memory_space<vmem>>[vector<16xi32>], vector<16xf32>,
      %mul3A_255 = arith.constant 16 : i32
      %mul3A_256 = arith.muli %scan3A_32, %mul3A_255 : i32
      %add3A_257 = vector.broadcast %mul3A_256 : i32 to vector<16xi32>
      %add3A_258 = arith.addi %add3A_257, %iota3A : vector<16xi32>
      tpu.vector_store_idx %arg11[%add3A_258], %select_n3A_153 : memref<64xi32, #tpu.memory_space<vmem>>[vector<16xi32>], vector<16xi32>,
      scf.yield %add3A_167, %add3A_174 : vector<16xf32>, vector<16xf32>
    }
    %scan3A_18 = arith.constant 4 : i32
    %mul3A_19 = arith.constant 8 : i32
    %mul3A_20 = arith.muli %mul3A_2, %mul3A_19 : i32
    %multiple_of3A_21 = tpu.assume_multiple %mul3A_20, 512 : i32
    "tpu.region"() ({
      %run_scoped3A = tpu.sem_alloc : memref<!tpu.dma_semaphore, #tpu.memory_space<semaphore_mem>>
      %dma_start3A_32 = tpu.memref_slice %arg4[%multiple_of3A_21] : memref<16384xf32, #tpu.memory_space<hbm>> -> memref<512xf32, #tpu.memory_space<hbm>>
      %dma_start3A_33 = tpu.memref_slice %arg4[%multiple_of3A_21] : memref<16384xf32, #tpu.memory_space<hbm>> -> memref<512xf32, #tpu.memory_space<hbm>>
      tpu.enqueue_dma source(%arg10 : memref<512xf32, #tpu.memory_space<vmem>>) target(%dma_start3A_33 : memref<512xf32, #tpu.memory_space<hbm>>) target_semaphore(%run_scoped3A : memref<!tpu.dma_semaphore, #tpu.memory_space<semaphore_mem>>)
      %dma_wait3A = tpu.memref_slice %arg4[%multiple_of3A_21] : memref<16384xf32, #tpu.memory_space<hbm>> -> memref<512xf32, #tpu.memory_space<hbm>>
      %dma_wait3A_34 = tpu.memref_slice %arg4[%multiple_of3A_21] : memref<16384xf32, #tpu.memory_space<hbm>> -> memref<512xf32, #tpu.memory_space<hbm>>
      tpu.wait_dma2 semaphore(%run_scoped3A : memref<!tpu.dma_semaphore, #tpu.memory_space<semaphore_mem>>) src(%arg10 : memref<512xf32, #tpu.memory_space<vmem>>) dst(%dma_wait3A_34 : memref<512xf32, #tpu.memory_space<hbm>>)
      tpu.yield
    }) : () -> ()
    %multiple_of3A_22 = tpu.assume_multiple %mul3A_2, 64 : i32
    "tpu.region"() ({
      %run_scoped3A = tpu.sem_alloc : memref<!tpu.dma_semaphore, #tpu.memory_space<semaphore_mem>>
      %dma_start3A_32 = tpu.memref_slice %arg5[%multiple_of3A_22] : memref<2048xi32, #tpu.memory_space<hbm>> -> memref<64xi32, #tpu.memory_space<hbm>>
      %dma_start3A_33 = tpu.memref_slice %arg5[%multiple_of3A_22] : memref<2048xi32, #tpu.memory_space<hbm>> -> memref<64xi32, #tpu.memory_space<hbm>>
      tpu.enqueue_dma source(%arg11 : memref<64xi32, #tpu.memory_space<vmem>>) target(%dma_start3A_33 : memref<64xi32, #tpu.memory_space<hbm>>) target_semaphore(%run_scoped3A : memref<!tpu.dma_semaphore, #tpu.memory_space<semaphore_mem>>)
      %dma_wait3A = tpu.memref_slice %arg5[%multiple_of3A_22] : memref<2048xi32, #tpu.memory_space<hbm>> -> memref<64xi32, #tpu.memory_space<hbm>>
      %dma_wait3A_34 = tpu.memref_slice %arg5[%multiple_of3A_22] : memref<2048xi32, #tpu.memory_space<hbm>> -> memref<64xi32, #tpu.memory_space<hbm>>
      tpu.wait_dma2 semaphore(%run_scoped3A : memref<!tpu.dma_semaphore, #tpu.memory_space<semaphore_mem>>) src(%arg11 : memref<64xi32, #tpu.memory_space<vmem>>) dst(%dma_wait3A_34 : memref<64xi32, #tpu.memory_space<hbm>>)
      tpu.yield
    }) : () -> ()
    %swap3A = arith.constant 0 : index
    %swap3A_23 = tpu.vector_load %arg12[%swap3A] {strides = array<i32>} : memref<16xf32, #tpu.memory_space<vmem>>, vector<16xf32>,
    tpu.vector_store %arg12[%swap3A], %scan3A_17#0 {strides = array<i32>} : memref<16xf32, #tpu.memory_space<vmem>>, vector<16xf32>,
    %mul3A_24 = arith.constant 16 : i32
    %mul3A_25 = arith.muli %add3A, %mul3A_24 : i32
    %multiple_of3A_26 = tpu.assume_multiple %mul3A_25, 16 : i32
    "tpu.region"() ({
      %run_scoped3A = tpu.sem_alloc : memref<!tpu.dma_semaphore, #tpu.memory_space<semaphore_mem>>
      %dma_start3A_32 = tpu.memref_slice %arg6[%multiple_of3A_26] : memref<512xf32, #tpu.memory_space<hbm>> -> memref<16xf32, #tpu.memory_space<hbm>>
      %dma_start3A_33 = tpu.memref_slice %arg6[%multiple_of3A_26] : memref<512xf32, #tpu.memory_space<hbm>> -> memref<16xf32, #tpu.memory_space<hbm>>
      tpu.enqueue_dma source(%arg12 : memref<16xf32, #tpu.memory_space<vmem>>) target(%dma_start3A_33 : memref<16xf32, #tpu.memory_space<hbm>>) target_semaphore(%run_scoped3A : memref<!tpu.dma_semaphore, #tpu.memory_space<semaphore_mem>>)
      %dma_wait3A = tpu.memref_slice %arg6[%multiple_of3A_26] : memref<512xf32, #tpu.memory_space<hbm>> -> memref<16xf32, #tpu.memory_space<hbm>>
      %dma_wait3A_34 = tpu.memref_slice %arg6[%multiple_of3A_26] : memref<512xf32, #tpu.memory_space<hbm>> -> memref<16xf32, #tpu.memory_space<hbm>>
      tpu.wait_dma2 semaphore(%run_scoped3A : memref<!tpu.dma_semaphore, #tpu.memory_space<semaphore_mem>>) src(%arg12 : memref<16xf32, #tpu.memory_space<vmem>>) dst(%dma_wait3A_34 : memref<16xf32, #tpu.memory_space<hbm>>)
      tpu.yield
    }) : () -> ()
    %swap3A_27 = arith.constant 0 : index
    %swap3A_28 = tpu.vector_load %arg12[%swap3A_27] {strides = array<i32>} : memref<16xf32, #tpu.memory_space<vmem>>, vector<16xf32>,
    tpu.vector_store %arg12[%swap3A_27], %scan3A_17#1 {strides = array<i32>} : memref<16xf32, #tpu.memory_space<vmem>>, vector<16xf32>,
    %mul3A_29 = arith.constant 16 : i32
    %mul3A_30 = arith.muli %add3A, %mul3A_29 : i32
    %multiple_of3A_31 = tpu.assume_multiple %mul3A_30, 16 : i32
    "tpu.region"() ({
      %run_scoped3A = tpu.sem_alloc : memref<!tpu.dma_semaphore, #tpu.memory_space<semaphore_mem>>
      %dma_start3A_32 = tpu.memref_slice %arg7[%multiple_of3A_31] : memref<512xf32, #tpu.memory_space<hbm>> -> memref<16xf32, #tpu.memory_space<hbm>>
      %dma_start3A_33 = tpu.memref_slice %arg7[%multiple_of3A_31] : memref<512xf32, #tpu.memory_space<hbm>> -> memref<16xf32, #tpu.memory_space<hbm>>
      tpu.enqueue_dma source(%arg12 : memref<16xf32, #tpu.memory_space<vmem>>) target(%dma_start3A_33 : memref<16xf32, #tpu.memory_space<hbm>>) target_semaphore(%run_scoped3A : memref<!tpu.dma_semaphore, #tpu.memory_space<semaphore_mem>>)
      %dma_wait3A = tpu.memref_slice %arg7[%multiple_of3A_31] : memref<512xf32, #tpu.memory_space<hbm>> -> memref<16xf32, #tpu.memory_space<hbm>>
      %dma_wait3A_34 = tpu.memref_slice %arg7[%multiple_of3A_31] : memref<512xf32, #tpu.memory_space<hbm>> -> memref<16xf32, #tpu.memory_space<hbm>>
      tpu.wait_dma2 semaphore(%run_scoped3A : memref<!tpu.dma_semaphore, #tpu.memory_space<semaphore_mem>>) src(%arg12 : memref<16xf32, #tpu.memory_space<vmem>>) dst(%dma_wait3A_34 : memref<16xf32, #tpu.memory_space<hbm>>)
      tpu.yield
    }) : () -> ()
    return
  }
}

module attributes {stable_mosaic.version = 14 : i64} {
  func.func @body(%arg0: i32, %arg1: memref<1024x9x128xf32, #tpu.memory_space<vmem>>, %arg2: memref<1x1x1024xi32, #tpu.memory_space<vmem>>, %arg3: memref<8x1024xf32, #tpu.memory_space<vmem>>, %arg4: memref<1x1x1024xi32, #tpu.memory_space<vmem>>, %arg5: memref<1x1x128xf32, #tpu.memory_space<vmem>>, %arg6: memref<1x1x128xf32, #tpu.memory_space<vmem>>) attributes {dimension_semantics = [#tpu.dimension_semantics<arbitrary>], iteration_bounds = array<i64: 14>, scalar_prefetch = 0 : i64, scratch_operands = 0 : i64, tpu.core_type = #tpu.core_type<tc>, window_params = [{transform_indices = @transform_0, window_bounds = array<i64: 1024, 9, 128>}, {transform_indices = @transform_1, window_bounds = array<i64: 1, 1, 1024>}, {transform_indices = @transform_2, window_bounds = array<i64: 8, 1024>}, {transform_indices = @transform_3, window_bounds = array<i64: 1, 1, 1024>}, {transform_indices = @transform_4, window_bounds = array<i64: 1, 1, 128>}, {transform_indices = @transform_5, window_bounds = array<i64: 1, 1, 128>}]} {
    %get3A = arith.constant 0 : index
    %get3A_0 = arith.constant 8 : index
    %get3A_1 = arith.constant 0 : index
    %get3A_2 = vector.load %arg1[%get3A, %get3A_0, %get3A_1] : memref<1024x9x128xf32, #tpu.memory_space<vmem>>, vector<1024x1x128xf32>
    %get3A_3 = vector.shape_cast %get3A_2 : vector<1024x1x128xf32> to vector<1024x128xf32>
    %get3A_4 = arith.constant 0 : index
    %get3A_5 = arith.constant 0 : index
    %get3A_6 = arith.constant 0 : index
    %get3A_7 = vector.load %arg1[%get3A_4, %get3A_5, %get3A_6] : memref<1024x9x128xf32, #tpu.memory_space<vmem>>, vector<1024x1x128xf32>
    %get3A_8 = vector.shape_cast %get3A_7 : vector<1024x1x128xf32> to vector<1024x128xf32>
    %sub3A = arith.subf %get3A_8, %get3A_3 : vector<1024x128xf32>
    %mul3A = arith.mulf %sub3A, %sub3A : vector<1024x128xf32>
    %reduce_sum3A = arith.constant dense<0.000000e+00> : vector<1024xf32>
    %reduce_sum3A_9 = vector.multi_reduction <add>, %mul3A, %reduce_sum3A [1] : vector<1024x128xf32> to vector<1024xf32>
    %get3A_10 = arith.constant 0 : index
    %get3A_11 = arith.constant 1 : index
    %get3A_12 = arith.constant 0 : index
    %get3A_13 = vector.load %arg1[%get3A_10, %get3A_11, %get3A_12] : memref<1024x9x128xf32, #tpu.memory_space<vmem>>, vector<1024x1x128xf32>
    %get3A_14 = vector.shape_cast %get3A_13 : vector<1024x1x128xf32> to vector<1024x128xf32>
    %sub3A_15 = arith.subf %get3A_14, %get3A_3 : vector<1024x128xf32>
    %mul3A_16 = arith.mulf %sub3A_15, %sub3A_15 : vector<1024x128xf32>
    %reduce_sum3A_17 = arith.constant dense<0.000000e+00> : vector<1024xf32>
    %reduce_sum3A_18 = vector.multi_reduction <add>, %mul3A_16, %reduce_sum3A_17 [1] : vector<1024x128xf32> to vector<1024xf32>
    %get3A_19 = arith.constant 0 : index
    %get3A_20 = arith.constant 2 : index
    %get3A_21 = arith.constant 0 : index
    %get3A_22 = vector.load %arg1[%get3A_19, %get3A_20, %get3A_21] : memref<1024x9x128xf32, #tpu.memory_space<vmem>>, vector<1024x1x128xf32>
    %get3A_23 = vector.shape_cast %get3A_22 : vector<1024x1x128xf32> to vector<1024x128xf32>
    %sub3A_24 = arith.subf %get3A_23, %get3A_3 : vector<1024x128xf32>
    %mul3A_25 = arith.mulf %sub3A_24, %sub3A_24 : vector<1024x128xf32>
    %reduce_sum3A_26 = arith.constant dense<0.000000e+00> : vector<1024xf32>
    %reduce_sum3A_27 = vector.multi_reduction <add>, %mul3A_25, %reduce_sum3A_26 [1] : vector<1024x128xf32> to vector<1024xf32>
    %get3A_28 = arith.constant 0 : index
    %get3A_29 = arith.constant 3 : index
    %get3A_30 = arith.constant 0 : index
    %get3A_31 = vector.load %arg1[%get3A_28, %get3A_29, %get3A_30] : memref<1024x9x128xf32, #tpu.memory_space<vmem>>, vector<1024x1x128xf32>
    %get3A_32 = vector.shape_cast %get3A_31 : vector<1024x1x128xf32> to vector<1024x128xf32>
    %sub3A_33 = arith.subf %get3A_32, %get3A_3 : vector<1024x128xf32>
    %mul3A_34 = arith.mulf %sub3A_33, %sub3A_33 : vector<1024x128xf32>
    %reduce_sum3A_35 = arith.constant dense<0.000000e+00> : vector<1024xf32>
    %reduce_sum3A_36 = vector.multi_reduction <add>, %mul3A_34, %reduce_sum3A_35 [1] : vector<1024x128xf32> to vector<1024xf32>
    %get3A_37 = arith.constant 0 : index
    %get3A_38 = arith.constant 4 : index
    %get3A_39 = arith.constant 0 : index
    %get3A_40 = vector.load %arg1[%get3A_37, %get3A_38, %get3A_39] : memref<1024x9x128xf32, #tpu.memory_space<vmem>>, vector<1024x1x128xf32>
    %get3A_41 = vector.shape_cast %get3A_40 : vector<1024x1x128xf32> to vector<1024x128xf32>
    %sub3A_42 = arith.subf %get3A_41, %get3A_3 : vector<1024x128xf32>
    %mul3A_43 = arith.mulf %sub3A_42, %sub3A_42 : vector<1024x128xf32>
    %reduce_sum3A_44 = arith.constant dense<0.000000e+00> : vector<1024xf32>
    %reduce_sum3A_45 = vector.multi_reduction <add>, %mul3A_43, %reduce_sum3A_44 [1] : vector<1024x128xf32> to vector<1024xf32>
    %get3A_46 = arith.constant 0 : index
    %get3A_47 = arith.constant 5 : index
    %get3A_48 = arith.constant 0 : index
    %get3A_49 = vector.load %arg1[%get3A_46, %get3A_47, %get3A_48] : memref<1024x9x128xf32, #tpu.memory_space<vmem>>, vector<1024x1x128xf32>
    %get3A_50 = vector.shape_cast %get3A_49 : vector<1024x1x128xf32> to vector<1024x128xf32>
    %sub3A_51 = arith.subf %get3A_50, %get3A_3 : vector<1024x128xf32>
    %mul3A_52 = arith.mulf %sub3A_51, %sub3A_51 : vector<1024x128xf32>
    %reduce_sum3A_53 = arith.constant dense<0.000000e+00> : vector<1024xf32>
    %reduce_sum3A_54 = vector.multi_reduction <add>, %mul3A_52, %reduce_sum3A_53 [1] : vector<1024x128xf32> to vector<1024xf32>
    %get3A_55 = arith.constant 0 : index
    %get3A_56 = arith.constant 6 : index
    %get3A_57 = arith.constant 0 : index
    %get3A_58 = vector.load %arg1[%get3A_55, %get3A_56, %get3A_57] : memref<1024x9x128xf32, #tpu.memory_space<vmem>>, vector<1024x1x128xf32>
    %get3A_59 = vector.shape_cast %get3A_58 : vector<1024x1x128xf32> to vector<1024x128xf32>
    %sub3A_60 = arith.subf %get3A_59, %get3A_3 : vector<1024x128xf32>
    %mul3A_61 = arith.mulf %sub3A_60, %sub3A_60 : vector<1024x128xf32>
    %reduce_sum3A_62 = arith.constant dense<0.000000e+00> : vector<1024xf32>
    %reduce_sum3A_63 = vector.multi_reduction <add>, %mul3A_61, %reduce_sum3A_62 [1] : vector<1024x128xf32> to vector<1024xf32>
    %get3A_64 = arith.constant 0 : index
    %get3A_65 = arith.constant 7 : index
    %get3A_66 = arith.constant 0 : index
    %get3A_67 = vector.load %arg1[%get3A_64, %get3A_65, %get3A_66] : memref<1024x9x128xf32, #tpu.memory_space<vmem>>, vector<1024x1x128xf32>
    %get3A_68 = vector.shape_cast %get3A_67 : vector<1024x1x128xf32> to vector<1024x128xf32>
    %sub3A_69 = arith.subf %get3A_68, %get3A_3 : vector<1024x128xf32>
    %mul3A_70 = arith.mulf %sub3A_69, %sub3A_69 : vector<1024x128xf32>
    %reduce_sum3A_71 = arith.constant dense<0.000000e+00> : vector<1024xf32>
    %reduce_sum3A_72 = vector.multi_reduction <add>, %mul3A_70, %reduce_sum3A_71 [1] : vector<1024x128xf32> to vector<1024xf32>
    %get3A_73 = arith.constant 0 : index
    %get3A_74 = arith.constant 0 : index
    %get3A_75 = arith.constant 0 : index
    %get3A_76 = vector.load %arg2[%get3A_73, %get3A_74, %get3A_75] : memref<1x1x1024xi32, #tpu.memory_space<vmem>>, vector<1x1x1024xi32>
    %get3A_77 = vector.shape_cast %get3A_76 : vector<1x1x1024xi32> to vector<1024xi32>
    %broadcast_in_dim3A = arith.constant 0 : i32
    %broadcast_in_dim3A_78 = vector.broadcast %broadcast_in_dim3A : i32 to vector<1024xi32>
    %eq3A = arith.constant 0 : i32
    %eq3A_79 = vector.broadcast %eq3A : i32 to vector<1024xi32>
    %eq3A_80 = arith.cmpi eq, %get3A_77, %eq3A_79 : vector<1024xi32>
    %jit3A = arith.constant 0.000000e+00 : f32
    %broadcast_in_dim3A_81 = vector.broadcast %jit3A : f32 to vector<1024xf32>
    %select_n3A = arith.select %eq3A_80, %reduce_sum3A_9, %broadcast_in_dim3A_81 : vector<1024xi1>, vector<1024xf32>
    %lt3A = arith.cmpf olt, %reduce_sum3A_18, %reduce_sum3A_9 : vector<1024xf32>
    %jit3A_82 = arith.constant 1 : i32
    %broadcast_in_dim3A_83 = vector.broadcast %jit3A_82 : i32 to vector<1024xi32>
    %select_n3A_84 = arith.select %lt3A, %broadcast_in_dim3A_83, %broadcast_in_dim3A_78 : vector<1024xi1>, vector<1024xi32>
    %select_n3A_85 = arith.select %lt3A, %reduce_sum3A_18, %reduce_sum3A_9 : vector<1024xi1>, vector<1024xf32>
    %add3A = arith.addf %reduce_sum3A_9, %reduce_sum3A_18 : vector<1024xf32>
    %eq3A_86 = arith.constant 1 : i32
    %eq3A_87 = vector.broadcast %eq3A_86 : i32 to vector<1024xi32>
    %eq3A_88 = arith.cmpi eq, %get3A_77, %eq3A_87 : vector<1024xi32>
    %jit3A_89 = arith.constant 0.000000e+00 : f32
    %broadcast_in_dim3A_90 = vector.broadcast %jit3A_89 : f32 to vector<1024xf32>
    %select_n3A_91 = arith.select %eq3A_88, %reduce_sum3A_18, %broadcast_in_dim3A_90 : vector<1024xi1>, vector<1024xf32>
    %add3A_92 = arith.addf %select_n3A, %select_n3A_91 : vector<1024xf32>
    %lt3A_93 = arith.cmpf olt, %reduce_sum3A_27, %select_n3A_85 : vector<1024xf32>
    %jit3A_94 = arith.constant 2 : i32
    %broadcast_in_dim3A_95 = vector.broadcast %jit3A_94 : i32 to vector<1024xi32>
    %select_n3A_96 = arith.select %lt3A_93, %broadcast_in_dim3A_95, %select_n3A_84 : vector<1024xi1>, vector<1024xi32>
    %select_n3A_97 = arith.select %lt3A_93, %reduce_sum3A_27, %select_n3A_85 : vector<1024xi1>, vector<1024xf32>
    %add3A_98 = arith.addf %add3A, %reduce_sum3A_27 : vector<1024xf32>
    %eq3A_99 = arith.constant 2 : i32
    %eq3A_100 = vector.broadcast %eq3A_99 : i32 to vector<1024xi32>
    %eq3A_101 = arith.cmpi eq, %get3A_77, %eq3A_100 : vector<1024xi32>
    %jit3A_102 = arith.constant 0.000000e+00 : f32
    %broadcast_in_dim3A_103 = vector.broadcast %jit3A_102 : f32 to vector<1024xf32>
    %select_n3A_104 = arith.select %eq3A_101, %reduce_sum3A_27, %broadcast_in_dim3A_103 : vector<1024xi1>, vector<1024xf32>
    %add3A_105 = arith.addf %add3A_92, %select_n3A_104 : vector<1024xf32>
    %lt3A_106 = arith.cmpf olt, %reduce_sum3A_36, %select_n3A_97 : vector<1024xf32>
    %jit3A_107 = arith.constant 3 : i32
    %broadcast_in_dim3A_108 = vector.broadcast %jit3A_107 : i32 to vector<1024xi32>
    %select_n3A_109 = arith.select %lt3A_106, %broadcast_in_dim3A_108, %select_n3A_96 : vector<1024xi1>, vector<1024xi32>
    %select_n3A_110 = arith.select %lt3A_106, %reduce_sum3A_36, %select_n3A_97 : vector<1024xi1>, vector<1024xf32>
    %add3A_111 = arith.addf %add3A_98, %reduce_sum3A_36 : vector<1024xf32>
    %eq3A_112 = arith.constant 3 : i32
    %eq3A_113 = vector.broadcast %eq3A_112 : i32 to vector<1024xi32>
    %eq3A_114 = arith.cmpi eq, %get3A_77, %eq3A_113 : vector<1024xi32>
    %jit3A_115 = arith.constant 0.000000e+00 : f32
    %broadcast_in_dim3A_116 = vector.broadcast %jit3A_115 : f32 to vector<1024xf32>
    %select_n3A_117 = arith.select %eq3A_114, %reduce_sum3A_36, %broadcast_in_dim3A_116 : vector<1024xi1>, vector<1024xf32>
    %add3A_118 = arith.addf %add3A_105, %select_n3A_117 : vector<1024xf32>
    %lt3A_119 = arith.cmpf olt, %reduce_sum3A_45, %select_n3A_110 : vector<1024xf32>
    %jit3A_120 = arith.constant 4 : i32
    %broadcast_in_dim3A_121 = vector.broadcast %jit3A_120 : i32 to vector<1024xi32>
    %select_n3A_122 = arith.select %lt3A_119, %broadcast_in_dim3A_121, %select_n3A_109 : vector<1024xi1>, vector<1024xi32>
    %select_n3A_123 = arith.select %lt3A_119, %reduce_sum3A_45, %select_n3A_110 : vector<1024xi1>, vector<1024xf32>
    %add3A_124 = arith.addf %add3A_111, %reduce_sum3A_45 : vector<1024xf32>
    %eq3A_125 = arith.constant 4 : i32
    %eq3A_126 = vector.broadcast %eq3A_125 : i32 to vector<1024xi32>
    %eq3A_127 = arith.cmpi eq, %get3A_77, %eq3A_126 : vector<1024xi32>
    %jit3A_128 = arith.constant 0.000000e+00 : f32
    %broadcast_in_dim3A_129 = vector.broadcast %jit3A_128 : f32 to vector<1024xf32>
    %select_n3A_130 = arith.select %eq3A_127, %reduce_sum3A_45, %broadcast_in_dim3A_129 : vector<1024xi1>, vector<1024xf32>
    %add3A_131 = arith.addf %add3A_118, %select_n3A_130 : vector<1024xf32>
    %lt3A_132 = arith.cmpf olt, %reduce_sum3A_54, %select_n3A_123 : vector<1024xf32>
    %jit3A_133 = arith.constant 5 : i32
    %broadcast_in_dim3A_134 = vector.broadcast %jit3A_133 : i32 to vector<1024xi32>
    %select_n3A_135 = arith.select %lt3A_132, %broadcast_in_dim3A_134, %select_n3A_122 : vector<1024xi1>, vector<1024xi32>
    %select_n3A_136 = arith.select %lt3A_132, %reduce_sum3A_54, %select_n3A_123 : vector<1024xi1>, vector<1024xf32>
    %add3A_137 = arith.addf %add3A_124, %reduce_sum3A_54 : vector<1024xf32>
    %eq3A_138 = arith.constant 5 : i32
    %eq3A_139 = vector.broadcast %eq3A_138 : i32 to vector<1024xi32>
    %eq3A_140 = arith.cmpi eq, %get3A_77, %eq3A_139 : vector<1024xi32>
    %jit3A_141 = arith.constant 0.000000e+00 : f32
    %broadcast_in_dim3A_142 = vector.broadcast %jit3A_141 : f32 to vector<1024xf32>
    %select_n3A_143 = arith.select %eq3A_140, %reduce_sum3A_54, %broadcast_in_dim3A_142 : vector<1024xi1>, vector<1024xf32>
    %add3A_144 = arith.addf %add3A_131, %select_n3A_143 : vector<1024xf32>
    %lt3A_145 = arith.cmpf olt, %reduce_sum3A_63, %select_n3A_136 : vector<1024xf32>
    %jit3A_146 = arith.constant 6 : i32
    %broadcast_in_dim3A_147 = vector.broadcast %jit3A_146 : i32 to vector<1024xi32>
    %select_n3A_148 = arith.select %lt3A_145, %broadcast_in_dim3A_147, %select_n3A_135 : vector<1024xi1>, vector<1024xi32>
    %select_n3A_149 = arith.select %lt3A_145, %reduce_sum3A_63, %select_n3A_136 : vector<1024xi1>, vector<1024xf32>
    %add3A_150 = arith.addf %add3A_137, %reduce_sum3A_63 : vector<1024xf32>
    %eq3A_151 = arith.constant 6 : i32
    %eq3A_152 = vector.broadcast %eq3A_151 : i32 to vector<1024xi32>
    %eq3A_153 = arith.cmpi eq, %get3A_77, %eq3A_152 : vector<1024xi32>
    %jit3A_154 = arith.constant 0.000000e+00 : f32
    %broadcast_in_dim3A_155 = vector.broadcast %jit3A_154 : f32 to vector<1024xf32>
    %select_n3A_156 = arith.select %eq3A_153, %reduce_sum3A_63, %broadcast_in_dim3A_155 : vector<1024xi1>, vector<1024xf32>
    %add3A_157 = arith.addf %add3A_144, %select_n3A_156 : vector<1024xf32>
    %lt3A_158 = arith.cmpf olt, %reduce_sum3A_72, %select_n3A_149 : vector<1024xf32>
    %jit3A_159 = arith.constant 7 : i32
    %broadcast_in_dim3A_160 = vector.broadcast %jit3A_159 : i32 to vector<1024xi32>
    %select_n3A_161 = arith.select %lt3A_158, %broadcast_in_dim3A_160, %select_n3A_148 : vector<1024xi1>, vector<1024xi32>
    %add3A_162 = arith.addf %add3A_150, %reduce_sum3A_72 : vector<1024xf32>
    %eq3A_163 = arith.constant 7 : i32
    %eq3A_164 = vector.broadcast %eq3A_163 : i32 to vector<1024xi32>
    %eq3A_165 = arith.cmpi eq, %get3A_77, %eq3A_164 : vector<1024xi32>
    %jit3A_166 = arith.constant 0.000000e+00 : f32
    %broadcast_in_dim3A_167 = vector.broadcast %jit3A_166 : f32 to vector<1024xf32>
    %select_n3A_168 = arith.select %eq3A_165, %reduce_sum3A_72, %broadcast_in_dim3A_167 : vector<1024xi1>, vector<1024xf32>
    %add3A_169 = arith.addf %add3A_157, %select_n3A_168 : vector<1024xf32>
    %swap3A = arith.constant 0 : index
    %swap3A_170 = arith.constant 0 : index
    %swap3A_171 = vector.load %arg3[%swap3A, %swap3A_170] : memref<8x1024xf32, #tpu.memory_space<vmem>>, vector<1x1024xf32>
    %swap3A_172 = vector.shape_cast %swap3A_171 : vector<1x1024xf32> to vector<1024xf32>
    %swap3A_173 = vector.shape_cast %reduce_sum3A_9 : vector<1024xf32> to vector<1x1024xf32>
    tpu.vector_store %arg3[%swap3A, %swap3A_170], %swap3A_173 {strides = array<i32>} : memref<8x1024xf32, #tpu.memory_space<vmem>>, vector<1x1024xf32>,
    %swap3A_174 = arith.constant 1 : index
    %swap3A_175 = arith.constant 0 : index
    %swap3A_176 = vector.load %arg3[%swap3A_174, %swap3A_175] : memref<8x1024xf32, #tpu.memory_space<vmem>>, vector<1x1024xf32>
    %swap3A_177 = vector.shape_cast %swap3A_176 : vector<1x1024xf32> to vector<1024xf32>
    %swap3A_178 = vector.shape_cast %reduce_sum3A_18 : vector<1024xf32> to vector<1x1024xf32>
    tpu.vector_store %arg3[%swap3A_174, %swap3A_175], %swap3A_178 {strides = array<i32>} : memref<8x1024xf32, #tpu.memory_space<vmem>>, vector<1x1024xf32>,
    %swap3A_179 = arith.constant 2 : index
    %swap3A_180 = arith.constant 0 : index
    %swap3A_181 = vector.load %arg3[%swap3A_179, %swap3A_180] : memref<8x1024xf32, #tpu.memory_space<vmem>>, vector<1x1024xf32>
    %swap3A_182 = vector.shape_cast %swap3A_181 : vector<1x1024xf32> to vector<1024xf32>
    %swap3A_183 = vector.shape_cast %reduce_sum3A_27 : vector<1024xf32> to vector<1x1024xf32>
    tpu.vector_store %arg3[%swap3A_179, %swap3A_180], %swap3A_183 {strides = array<i32>} : memref<8x1024xf32, #tpu.memory_space<vmem>>, vector<1x1024xf32>,
    %swap3A_184 = arith.constant 3 : index
    %swap3A_185 = arith.constant 0 : index
    %swap3A_186 = vector.load %arg3[%swap3A_184, %swap3A_185] : memref<8x1024xf32, #tpu.memory_space<vmem>>, vector<1x1024xf32>
    %swap3A_187 = vector.shape_cast %swap3A_186 : vector<1x1024xf32> to vector<1024xf32>
    %swap3A_188 = vector.shape_cast %reduce_sum3A_36 : vector<1024xf32> to vector<1x1024xf32>
    tpu.vector_store %arg3[%swap3A_184, %swap3A_185], %swap3A_188 {strides = array<i32>} : memref<8x1024xf32, #tpu.memory_space<vmem>>, vector<1x1024xf32>,
    %swap3A_189 = arith.constant 4 : index
    %swap3A_190 = arith.constant 0 : index
    %swap3A_191 = vector.load %arg3[%swap3A_189, %swap3A_190] : memref<8x1024xf32, #tpu.memory_space<vmem>>, vector<1x1024xf32>
    %swap3A_192 = vector.shape_cast %swap3A_191 : vector<1x1024xf32> to vector<1024xf32>
    %swap3A_193 = vector.shape_cast %reduce_sum3A_45 : vector<1024xf32> to vector<1x1024xf32>
    tpu.vector_store %arg3[%swap3A_189, %swap3A_190], %swap3A_193 {strides = array<i32>} : memref<8x1024xf32, #tpu.memory_space<vmem>>, vector<1x1024xf32>,
    %swap3A_194 = arith.constant 5 : index
    %swap3A_195 = arith.constant 0 : index
    %swap3A_196 = vector.load %arg3[%swap3A_194, %swap3A_195] : memref<8x1024xf32, #tpu.memory_space<vmem>>, vector<1x1024xf32>
    %swap3A_197 = vector.shape_cast %swap3A_196 : vector<1x1024xf32> to vector<1024xf32>
    %swap3A_198 = vector.shape_cast %reduce_sum3A_54 : vector<1024xf32> to vector<1x1024xf32>
    tpu.vector_store %arg3[%swap3A_194, %swap3A_195], %swap3A_198 {strides = array<i32>} : memref<8x1024xf32, #tpu.memory_space<vmem>>, vector<1x1024xf32>,
    %swap3A_199 = arith.constant 6 : index
    %swap3A_200 = arith.constant 0 : index
    %swap3A_201 = vector.load %arg3[%swap3A_199, %swap3A_200] : memref<8x1024xf32, #tpu.memory_space<vmem>>, vector<1x1024xf32>
    %swap3A_202 = vector.shape_cast %swap3A_201 : vector<1x1024xf32> to vector<1024xf32>
    %swap3A_203 = vector.shape_cast %reduce_sum3A_63 : vector<1024xf32> to vector<1x1024xf32>
    tpu.vector_store %arg3[%swap3A_199, %swap3A_200], %swap3A_203 {strides = array<i32>} : memref<8x1024xf32, #tpu.memory_space<vmem>>, vector<1x1024xf32>,
    %swap3A_204 = arith.constant 7 : index
    %swap3A_205 = arith.constant 0 : index
    %swap3A_206 = vector.load %arg3[%swap3A_204, %swap3A_205] : memref<8x1024xf32, #tpu.memory_space<vmem>>, vector<1x1024xf32>
    %swap3A_207 = vector.shape_cast %swap3A_206 : vector<1x1024xf32> to vector<1024xf32>
    %swap3A_208 = vector.shape_cast %reduce_sum3A_72 : vector<1024xf32> to vector<1x1024xf32>
    tpu.vector_store %arg3[%swap3A_204, %swap3A_205], %swap3A_208 {strides = array<i32>} : memref<8x1024xf32, #tpu.memory_space<vmem>>, vector<1x1024xf32>,
    %swap3A_209 = arith.constant 0 : index
    %swap3A_210 = arith.constant 0 : index
    %swap3A_211 = arith.constant 0 : index
    %swap3A_212 = vector.load %arg4[%swap3A_209, %swap3A_210, %swap3A_211] : memref<1x1x1024xi32, #tpu.memory_space<vmem>>, vector<1x1x1024xi32>
    %swap3A_213 = vector.shape_cast %swap3A_212 : vector<1x1x1024xi32> to vector<1024xi32>
    %swap3A_214 = vector.shape_cast %select_n3A_161 : vector<1024xi32> to vector<1x1x1024xi32>
    tpu.vector_store %arg4[%swap3A_209, %swap3A_210, %swap3A_211], %swap3A_214 {strides = array<i32>} : memref<1x1x1024xi32, #tpu.memory_space<vmem>>, vector<1x1x1024xi32>,
    %mul3A_215 = arith.constant 2.000000e+00 : f32
    %mul3A_216 = vector.broadcast %mul3A_215 : f32 to vector<1024xf32>
    %mul3A_217 = arith.mulf %mul3A_216, %add3A_169 : vector<1024xf32>
    %sub3A_218 = arith.subf %mul3A_217, %add3A_162 : vector<1024xf32>
    %reduce_sum3A_219 = vector.shape_cast %sub3A_218 : vector<1024xf32> to vector<1x1024xf32>
    %reduce_sum3A_220 = arith.constant dense<0.000000e+00> : vector<1xf32>
    %reduce_sum3A_221 = vector.multi_reduction <add>, %reduce_sum3A_219, %reduce_sum3A_220 [1] : vector<1x1024xf32> to vector<1xf32>
    %reduce_sum3A_222 = vector.shape_cast %reduce_sum3A_221 : vector<1xf32> to vector<1x1xf32>
    %reduce_sum3A_223 = vector.extract %reduce_sum3A_222[0, 0] : f32 from vector<1x1xf32>
    %broadcast_in_dim3A_224 = vector.broadcast %reduce_sum3A_223 : f32 to vector<1x1x128xf32>
    %swap3A_225 = arith.constant 0 : index
    %swap3A_226 = arith.constant 0 : index
    %swap3A_227 = arith.constant 0 : index
    %swap3A_228 = vector.load %arg5[%swap3A_225, %swap3A_226, %swap3A_227] : memref<1x1x128xf32, #tpu.memory_space<vmem>>, vector<1x1x128xf32>
    tpu.vector_store %arg5[%swap3A_225, %swap3A_226, %swap3A_227], %broadcast_in_dim3A_224 {strides = array<i32>} : memref<1x1x128xf32, #tpu.memory_space<vmem>>, vector<1x1x128xf32>,
    %eq3A_229 = arith.cmpi eq, %select_n3A_161, %get3A_77 : vector<1024xi32>
    %jit3A_230 = arith.constant 1.000000e+00 : f32
    %jit3A_231 = arith.constant 0.000000e+00 : f32
    %broadcast_in_dim3A_232 = vector.broadcast %jit3A_230 : f32 to vector<1024xf32>
    %broadcast_in_dim3A_233 = vector.broadcast %jit3A_231 : f32 to vector<1024xf32>
    %select_n3A_234 = arith.select %eq3A_229, %broadcast_in_dim3A_232, %broadcast_in_dim3A_233 : vector<1024xi1>, vector<1024xf32>
    %reduce_sum3A_235 = vector.shape_cast %select_n3A_234 : vector<1024xf32> to vector<1x1024xf32>
    %reduce_sum3A_236 = arith.constant dense<0.000000e+00> : vector<1xf32>
    %reduce_sum3A_237 = vector.multi_reduction <add>, %reduce_sum3A_235, %reduce_sum3A_236 [1] : vector<1x1024xf32> to vector<1xf32>
    %reduce_sum3A_238 = vector.shape_cast %reduce_sum3A_237 : vector<1xf32> to vector<1x1xf32>
    %reduce_sum3A_239 = vector.extract %reduce_sum3A_238[0, 0] : f32 from vector<1x1xf32>
    %broadcast_in_dim3A_240 = vector.broadcast %reduce_sum3A_239 : f32 to vector<1x1x128xf32>
    %swap3A_241 = arith.constant 0 : index
    %swap3A_242 = arith.constant 0 : index
    %swap3A_243 = arith.constant 0 : index
    %swap3A_244 = vector.load %arg6[%swap3A_241, %swap3A_242, %swap3A_243] : memref<1x1x128xf32, #tpu.memory_space<vmem>>, vector<1x1x128xf32>
    tpu.vector_store %arg6[%swap3A_241, %swap3A_242, %swap3A_243], %broadcast_in_dim3A_240 {strides = array<i32>} : memref<1x1x128xf32, #tpu.memory_space<vmem>>, vector<1x1x128xf32>,
    return
  }
  func.func @transform_0(%arg0: i32) -> (i32, i32, i32) {
    %add3A = arith.constant 2 : i32
    %add3A_0 = arith.addi %arg0, %add3A : i32
    %c0_i32 = arith.constant 0 : i32
    %c0_i32_1 = arith.constant 0 : i32
    %c0_i32_2 = arith.constant 0 : i32
    return %add3A_0, %c0_i32, %c0_i32_1 : i32, i32, i32
  }
  func.func @transform_1(%arg0: i32) -> (i32, i32, i32) {
    %add3A = arith.constant 2 : i32
    %add3A_0 = arith.addi %arg0, %add3A : i32
    %c0_i32 = arith.constant 0 : i32
    %c0_i32_1 = arith.constant 0 : i32
    %c0_i32_2 = arith.constant 0 : i32
    return %add3A_0, %c0_i32, %c0_i32_1 : i32, i32, i32
  }
  func.func @transform_2(%arg0: i32) -> (i32, i32) {
    %c0_i32 = arith.constant 0 : i32
    %c0_i32_0 = arith.constant 0 : i32
    return %c0_i32, %arg0 : i32, i32
  }
  func.func @transform_3(%arg0: i32) -> (i32, i32, i32) {
    %c0_i32 = arith.constant 0 : i32
    %c0_i32_0 = arith.constant 0 : i32
    %c0_i32_1 = arith.constant 0 : i32
    return %arg0, %c0_i32, %c0_i32_0 : i32, i32, i32
  }
  func.func @transform_4(%arg0: i32) -> (i32, i32, i32) {
    %c0_i32 = arith.constant 0 : i32
    %c0_i32_0 = arith.constant 0 : i32
    %c0_i32_1 = arith.constant 0 : i32
    return %arg0, %c0_i32, %c0_i32_0 : i32, i32, i32
  }
  func.func @transform_5(%arg0: i32) -> (i32, i32, i32) {
    %c0_i32 = arith.constant 0 : i32
    %c0_i32_0 = arith.constant 0 : i32
    %c0_i32_1 = arith.constant 0 : i32
    return %arg0, %c0_i32, %c0_i32_0 : i32, i32, i32
  }
}

</mosaic_0001>

<sc_bundles>
// kernel: kernel.5.cloned.1.call-start
scs
__scs_entry_jumppad:
0x0: {  	(pc) =	sbr.rel $0x88, $3  }
0x1: {  	(tag) =	ssettag $0x0;
	lr =	simm.s32 $0x1  }
0x2: {  	[smem:$0x3F9F] =	sst lr;
	_ =	strace $0xD0000000  }
0x3: {  	_ = 	snop  }
0x4: {  	_ = 	snop  }
0x5: {  	_ = 	snop  }
0x6: {  	_ = 	snop  }
0x7: {  	_ = 	snop  }
__scs_overlays_trampoline_lowered:
0x8: {  	[smem:$0x3FAE] =	sst s0  }
0x9: {  	[smem:$0x3FAF] =	sst s1  }
0xa: {  	[smem:$0x3FB0] =	sst s2  }
0xb: {  	[smem:$0x3FB1] =	sst s3  }
0xc: {  	[smem:$0x3FB2] =	sst s4  }
0xd: {  	[smem:$0x3FB3] =	sst s5  }
0xe: {  	[smem:$0x3FB4] =	sst s6  }
0xf: {  	[smem:$0x3FB5] =	sst s7  }
0x10: {  	[smem:$0x3FB6] =	sst s8  }
0x11: {  	[smem:$0x3FB7] =	sst s9;
	s0 =	simm.s32 @!p0 $0x0  }
0x12: {  	s1 =	sld [smem:$0x3F9D];
	s0 =	simm.s32 @p0 $0x1  }
0x13: {  	[smem:$0x3FB8] =	sst s0;
	s0 =	simm.s32 @!p1 $0x0  }
0x14: {  	s2 =	sld [smem:$0x3F9C];
	s0 =	simm.s32 @p1 $0x1  }
0x15: {  	[smem:$0x3FB9] =	sst s0;
	s0 =	simm.s32 @!p2 $0x0  }
0x16: {  	s3 =	sld [smem:$0x3FDB];
	s0 =	simm.s32 @p2 $0x1  }
0x17: {  	s4 =	simm.s32 $0x1BF5;
	[smem:$0x3FBB] =	sst s0  }
0x18: {  	s0 =	sld [smem:$0x3F9E];
	_ =	swait.ge [sflag:s4], $0x0  }
0x19: {  	s7 =	sld [smem:$0x3F9F]  }
0x1a: {  	s8 =	sadd.s32 $0xFFFFE003, lr  }
0x1b: {  	s9 =	sadd.s32 $0xFFFFFEF7, lr;
	s5 =	simm.s32 $0xFFFFFFFF;
	p2 =	slt.u32 s8, $0xFFFFF086  }
0x1c: {  	p1 =	slt.u32 s9, $0xF7A;
	s5 =	simm.s32 @!p2 $0x0  }
0x1d: {  	s5 =	simm.s32 @p1 $0x1;
	p0 =	seq.s32 s7, s2  }
0x1e: {  	s7 =	smul.u32 @!p0 $0xF7A, s2;
	p2 =	seq.s32 @!p0 s5, $0x0  }
0x1f: {  	s9 =	smul.u32 $0xF7A, s1;
	s8 =	simm.s32 @!p0 $0x1BF5;
	p2 =	por !p2, p0  }
0x20: {  	[sflag:s8] =	ssyncset.s32 @!p0 $0xFFFFF086;
	s6 =	sadd.s32 @!p0 s3, s7;
	s7 =	simm.s32 @!p0 $0x108  }
0x21: {  	s3 =	sadd.s32 s3, s9;
	s6 =	sadd.s32 @!p0 $0x88, s6;
	s7 =	simm.s32 @p2 $0x1082  }
0x22: {  	[simem:s7], [sflag:s8] =	dma.local @!p0 [hbm:s6], $0xF7A  }
0x23: {  	s9 =	sor.u32 $0xD0000000, s2;
	s6 =	simm.s32 $0x108;
	_ =	swait.ge @!p0 [sflag:s8], $0x0  }
0x24: {  	s3 =	sadd.s32 $0x88, s3;
	s6 =	simm.s32 @!p1 $0x1082;
	[sflag:s4] =	ssyncset.s32 $0xFFFFF086  }
0x25: {  	[simem:s6], [sflag:s4] =	dma.local [hbm:s3], $0xF7A  }
0x26: {  	[smem:$0x3F9F] =	sst s1;
	(tag) =	ssettag s2;
	_ =	strace s9  }
0x27: {  	s1 =	sld [smem:$0x3FAF]  }
0x28: {  	s2 =	sld [smem:$0x3FB0]  }
0x29: {  	s4 =	sld [smem:$0x3FB2]  }
0x2a: {  	p0 =	seq.s32 s5, $0x0;
	s5 =	sld [smem:$0x3FB3]  }
0x2b: {  	s6 =	sld [smem:$0x3FB4]  }
0x2c: {  	s7 =	sld [smem:$0x3FB5]  }
0x2d: {  	s3 =	simm.s32 $0x108;
	s8 =	sld [smem:$0x3FB6]  }
0x2e: {  	s3 =	simm.s32 @!p0 $0x1082;
	s9 =	sld [smem:$0x3FB7]  }
0x2f: {  	lr =	sadd.s32 s0, s3;
	s0 =	sld [smem:$0x3FAE]  }
0x30: {  	s3 =	sld [smem:$0x3FB1]  }
0x31: {  	[smem:$0x3FBA] =	sst s10  }
0x32: {  	s10 =	sld [smem:$0x3FB8];
	_ =	sdelay $0x3  }
0x33: {  	p0 =	seq.s32 s10, $0x1;
	s10 =	sld [smem:$0x3FBA];
	_ =	sdelay $0x3  }
0x34: {  	[smem:$0x3FBA] =	sst s10  }
0x35: {  	s10 =	sld [smem:$0x3FB9];
	_ =	sdelay $0x3  }
0x36: {  	p1 =	seq.s32 s10, $0x1;
	s10 =	sld [smem:$0x3FBA];
	_ =	sdelay $0x3  }
0x37: {  	[smem:$0x3FBA] =	sst s10  }
0x38: {  	s10 =	sld [smem:$0x3FBB]  }
0x39: {  	_ = 	snop;
	(pc) =	sbr.ind lr, $3  }
0x3a: {  	_ = 	snop  }
0x3b: {  	_ = 	snop  }
0x3c: {  	p2 =	seq.s32 s10, $0x1;
	s10 =	sld [smem:$0x3FBA]  }
0x3d: {  	_ =	shalt  }
0x3e: {  	_ =	shalt  }
0x3f: {  	_ =	shalt  }
0x40: {  	_ =	shalt  }
0x41: {  	_ =	shalt  }
0x42: {  	_ =	shalt  }
0x43: {  	_ =	shalt  }
0x44: {  	_ =	shalt  }
0x45: {  	_ =	shalt  }
0x46: {  	_ =	shalt  }
0x47: {  	_ =	shalt  }
0x48: {  	_ =	shalt  }
0x49: {  	_ =	shalt  }
0x4a: {  	_ =	shalt  }
0x4b: {  	_ =	shalt  }
0x4c: {  	_ =	shalt  }
0x4d: {  	_ =	shalt  }
0x4e: {  	_ =	shalt  }
0x4f: {  	_ =	shalt  }
0x50: {  	_ =	shalt  }
0x51: {  	_ =	shalt  }
0x52: {  	_ =	shalt  }
0x53: {  	_ =	shalt  }
0x54: {  	_ =	shalt  }
0x55: {  	_ =	shalt  }
0x56: {  	_ =	shalt  }
0x57: {  	_ =	shalt  }
0x58: {  	_ =	shalt  }
0x59: {  	_ =	shalt  }
0x5a: {  	_ =	shalt  }
0x5b: {  	_ =	shalt  }
0x5c: {  	_ =	shalt  }
0x5d: {  	_ =	shalt  }
0x5e: {  	_ =	shalt  }
0x5f: {  	_ =	shalt  }
0x60: {  	_ =	shalt  }
0x61: {  	_ =	shalt  }
0x62: {  	_ =	shalt  }
0x63: {  	_ =	shalt  }
0x64: {  	_ =	shalt  }
0x65: {  	_ =	shalt  }
0x66: {  	_ =	shalt  }
0x67: {  	_ =	shalt  }
0x68: {  	_ =	shalt  }
0x69: {  	_ =	shalt  }
0x6a: {  	_ =	shalt  }
0x6b: {  	_ =	shalt  }
0x6c: {  	_ =	shalt  }
0x6d: {  	_ =	shalt  }
0x6e: {  	_ =	shalt  }
0x6f: {  	_ =	shalt  }
0x70: {  	_ =	shalt  }
0x71: {  	_ =	shalt  }
0x72: {  	_ =	shalt  }
0x73: {  	_ =	shalt  }
0x74: {  	_ =	shalt  }
0x75: {  	_ =	shalt  }
0x76: {  	_ =	shalt  }
0x77: {  	_ =	shalt  }
0x78: {  	_ =	shalt  }
0x79: {  	_ =	shalt  }
0x7a: {  	_ =	shalt  }
0x7b: {  	_ =	shalt  }
0x7c: {  	_ =	shalt  }
0x7d: {  	_ =	shalt  }
0x7e: {  	_ =	shalt  }
0x7f: {  	_ =	shalt  }
0x80: {  	_ =	shalt  }
0x81: {  	_ =	shalt  }
0x82: {  	_ =	shalt  }
0x83: {  	_ =	shalt  }
0x84: {  	_ =	shalt  }
0x85: {  	_ =	shalt  }
0x86: {  	_ =	shalt  }
0x87: {  	_ =	shalt  }
.Lfunc_end0:
.L_simem_size_0:
called_computation_lowered:
.L_overlay_start_0:
0x88: {  	s2 =	sld [smem:$0x3FD9]  }
0x89: {  	s3 =	sld [smem:$0x3FFE];
	_ =	sdelay $0x1  }
0x8a: {  	s1 =	srdreg.scid  }
0x8b: {  	s0 =	sand.u32 $0x1, s1  }
0x8c: {  	s14 =	sshll.u32 s0, $0xA;
	s2 =	sadd.s32 s3, s2  }
0x8d: {  	s2 =	sadd.s32 s2, s14  }
0x8e: {  	[smem:$0x3FC6] =	sst s2  }
0x8f: {  	_ = 	snop  }
0x90: {  	s2 =	sld [smem:$0x3FD0];
	_ =	sdelay $0x2  }
0x91: {  	s15 =	simm.s32 $0xA;
	s4 =	simm.s32 $0x10  }
0x92: {  	[smem:s4], [sflag:s15] =	dma.local [hbm:s2], $0x1  }
0x93: {  	_ =	swait.eq [sflag:s15], $0x1  }
0x94: {  	[sflag:s15] =	ssyncset.done $0x0  }
0x95: {  	s16 =	sld [smem:$0x10];
	[sflag:s15] =	ssyncadd.s32 $0xFFFFFFFF  }
0x96: {  	s17 =	sld [smem:$0x11];
	(tm) =	ssettm $0x1  }
0x97: {  	s18 =	sld [smem:$0x3FFB];
	_ =	sdelay $0x3  }
0x98: {  	_ =	strace s18  }
0x99: {  	s4 =	sld [smem:$0x3FFC];
	_ =	sdelay $0x3  }
0x9a: {  	_ =	strace s4  }
0x9b: {  	s4 =	sld [smem:$0x3FFD];
	_ =	sdelay $0x3  }
0x9c: {  	_ =	strace s4  }
0x9d: {  	_ =	strace $0x8FFFFFFF  }
0x9e: {  	s19 =	sld [smem:$0x3FDB];
	_ =	sdelay $0x1  }
0x9f: {  	s5 =	simm.s32 $_scs_section_size  }
0xa0: {  	s6 =	simm.s32 $_size__tile_overlayer_lowered;
	s7 =	simm.s32 $_tile_overlayer_lowered  }
0xa1: {  	s22 =	simm.s32 $0x1BFF;
	s21 =	sshll.u32 s7, $0x1;
	s4 =	sadd.s32 s5, s19  }
0xa2: {  	s8 =	simm.s32 $0x0;
	s20 =	sshll.u32 s6, $0x1;
	s6 =	sadd.s32 s21, s4  }
0xa3: {  	[timem:s8], [sflag:s22] =	dma.local [hbm:s6], s20  }
0xa4: {  	_ =	swait.ge [sflag:s22], s20  }
0xa5: {  	s5 =	ssub.s32 $0x0, s20;
	[sflag:s22] =	ssyncset.done $0x0  }
0xa6: {  	[sflag:s22] =	ssyncadd.s32 s5;
	_ =	sdelay $0x1  }
0xa7: {  	s23 =	simm.s32 $0x1B8B  }
0xa8: {  	_ =	swait.ge [sflag:s23], $0x1  }
0xa9: {  	[sflag:s23] =	ssyncset.done $0x0  }
0xaa: {  	s25 =	simm.s32 $0x1B8E;
	s24 =	sld [smem:$0x3FFE];
	[sflag:s23] =	ssyncadd.s32 $0xFFFFFFFF  }
0xab: {  	s26 =	simm.s32 $execute0_lowered;
	[smem:$0x3FD2] =	sst s25  }
0xac: {  	s6 =	sshll.u32 s26, $0x1;
	_ =	strace $0x80000046;
	[dreg:$0x1] =	wrdreg $0xFFFFFFFF  }
0xad: {  	s28 =	simm.s32 $_size_execute0_lowered;
	s4 =	sadd.s32 s4, s6;
	[dreg:$0x0] =	wrdreg $0x0  }
0xae: {  	s6 =	sshll.u32 s28, $0x1;
	[dreg:$0x2] =	wrdreg s4  }
0xaf: {  	[dreg:$0x3] =	wrdreg s6  }
0xb0: {  	[dreg:$0x4] =	wrdreg $0xC0  }
0xb1: {  	_ =	task [dreg:s8], $0x5FFFF  }
0xb2: {  	[dreg:$0x1] =	wrdreg $0xFFFFFFFF  }
0xb3: {  	[dreg:$0x0] =	wrdreg $0x60  }
0xb4: {  	[dreg:$0x2] =	wrdreg s24  }
0xb5: {  	[dreg:$0x3] =	wrdreg s16  }
0xb6: {  	[dreg:$0x4] =	wrdreg s17  }
0xb7: {  	[dreg:$0x5] =	wrdreg $0x9  }
0xb8: {  	_ =	task.clear_ibuf [dreg:s8], $0x6FFFF;
	_ =	strace $0x90000046  }
0xb9: {  	s29 =	simm.s32 $0x9;
	_ =	strace $0x80000048  }
0xba: {  	_ =	swait.ge [sflag:s29], $0x1  }
0xbb: {  	[sflag:s29] =	ssyncadd.s32 $0xFFFFFFFF  }
0xbc: {  	_ =	strace $0x90000048  }
0xbd: {  	_ =	sfence  }
0xbe: {  	s30 =	sld [smem:$0x0];
	_ =	sdelay $0x2  }
0xbf: {  	s31 =	sshll.u32 s1, $0xD;
	s1 =	sshrl.u32 s1, $0x2  }
0xc0: {  	s3 =	sand.u32 $0x4000, s31;
	s1 =	sadd.s32 s1, s30  }
0xc1: {  	s0 =	sor.u32 s3, s0;
	s1 =	sshll.u32 s1, $0x11  }
0xc2: {  	s0 =	sor.u32 s1, s0  }
0xc3: {  	s0 =	sadd.s32 $0x8F2B, s0  }
0xc4: {  	[sflag:s0] =	ssyncadd.remote.s32 $0x1  }
0xc5: {  	_ =	sfence.sel $0xFFFF  }
0xc6: {  	[dreg:$0x0] =	wrdreg $0xFFFFFFFF;
	(pc) =	sbr.abs _section_cstart, $3  }
0xc7: {  	[dreg:$0x1] =	wrdreg $0xFFFFFFFF  }
0xc8: {  	_ =	task.clear_ibuf [dreg:s8], $0x2FFFF;
	_ =	strace $0x9FFFFFFF  }
0xc9: {  	(tm) =	ssettm $0x7FFFFFFF  }
tec
execute0_lowered:
.L_overlay_start_1:
0x0: {  	(tag) =	ssettag $0x1  }
0x1: {  	s5 =	rddreg [dreg:$0x0]  }
0x2: {  	s6 =	rddreg [dreg:$0x1]  }
0x3: {  	s7 =	rddreg [dreg:$0x2]  }
0x4: {  	s0 =	rddreg [dreg:$0x3]  }
0x5: {  	s3 =	srdreg.scid;
	s1 =	stileid.u32  }
0x6: {  	s2 =	simm.s32 $0x0;
	s13 =	simm.s32 $0x2;
	s14 =	simm.s32 $0x1  }
0x7: {  	s15 =	simm.s32 $0x9080;
	s16 =	simm.s32 $0x9280;
	s17 =	simm.s32 $0x9300  }
0x8: {  	s18 =	simm.s32 $0x0;
	s24 =	simm.s32 $0x0;
	s4 =	sand.u32 $0x1, s3  }
0x9: {  	v0 =	vlaneseq.u32;
	s29 =	sshll.u32 s1, $0x1;
	[smem:$0x7FF] =	sst s2;
	s3 =	sadd.s32 $0x1400, s5  }
0xa: {  	v12 =	vimm.f32 $0.0e+00;
	v1 =	vmul.u32 $0x480, v0;
	s8 =	sor.u32 s4, s29;
	_ =	strace $0x80000047;
	s11 =	ssub.s32 $0x2, s4  }
0xb: {  	v13 =	vimm.s32 $0x0;
	v8 =	vmul.u32 $0x8, v0;
	v11 =	vmul.u32 $0x2, v0;
	s9 =	sshll.u32 s8, $0x3;
	s10 =	sshll.u32 s8, $0x1;
	s4 =	smul.u32 $0x12000, s8  }
0xc: {  	s30 =	sshrl.u32 s11, $0x1;
	v2 =	vadd.s32 $0x400, v1;
	s31 =	sshll.u32 s8, $0x4;
	v3 =	vadd.s32 $0x80, v1;
	v4 =	vadd.s32 $0x100, v1;
	s8 =	sshll.u32 s8, $0x6  }
0xd: {  	v5 =	vadd.s32 $0x180, v1;
	v6 =	vadd.s32 $0x200, v1;
	v7 =	vadd.s32 $0x280, v1;
	s9 =	sadd.s32 s9, s5;
	s10 =	sadd.s32 s10, s5;
	s11 =	ssub.s32 s11, s30  }
0xe: {  	v9 =	vadd.s32 $0x300, v1;
	v10 =	vadd.s32 $0x380, v1;
	v14 =	vor.u32 $0x1, v8;
	s5 =	sadd.s32 s6, s31;
	s7 =	sadd.s32 s7, s8;
	s12 =	sshrl.u32 s4, $0x3  }
0xf: {  	v15 =	vor.u32 $0x2, v8;
	v16 =	vor.u32 $0x3, v8;
	v17 =	vor.u32 $0x4, v8;
	s8 =	sadd.s32 $0x49400, s9;
	s9 =	sadd.s32 $0x49600, s10;
	s10 =	sadd.s32 $0x49800, s10  }
0x10: {  	v18 =	vor.u32 $0x5, v8;
	v19 =	vor.u32 $0x6, v8;
	v20 =	vor.u32 $0x7, v8;
	s11 =	smax.u32 s11, $0x1;
	s6 =	sadd.s32 s3, s12;
	s12 =	simm.s32 $0x9000  }
.LBB2_1:
0x11: {  	[tilespmem:s12], [sflag:$0x2] =	stream.linear.gather [hbm4b:s5+s2], $0x80, $0x38;
	[tilespmem:$0x9380] =	vst v63  }
0x12: {  	_ =	swait.ge [sflag:s13], $0x80  }
0x13: {  	[sflag:s13] =	ssyncset.done $0x0  }
0x14: {  	s20 =	simm.s32 $0x0;
	[sflag:s13] =	ssyncadd.s32 $0xFFFFFF80  }
0x15: {  	v21 =	vimm.f32 $0.0e+00;
	v22 =	vimm.f32 $0.0e+00;
	[tilespmem:s2], [sflag:$0x1] =	stream.linear.gather [hbm4b:s6+s2], $0x4800, $0x38;
	[tilespmem:$0x9380] =	vst v63  }
.LBB2_2:
0x16: {  	s21 =	sand.u32 $0x1, s20  }
0x17: {  	s22 =	smul.u32 $0x4800, s21  }
0x18: {  	s19 =	sadd.s32 $0x1, s20;
	p0 =	seq.s32 s20, $0x3  }
0x19: {  	s23 =	smul.u32 @!p0 $0x4800, s19;
	v23 =	vadd.s32 s22, v4  }
0x1a: {  	s21 =	sxor.u32 @!p0 $0x1, s21;
	v24 =	vadd.s32 s22, v9;
	v30 =	vor.u32 s24, v23  }
0x1b: {  	_ =	swait.ge [sflag:s14], $0x4800;
	s21 =	smul.u32 @!p0 $0x12000, s21;
	s23 =	sadd.s32 @!p0 s4, s23;
	v25 =	vadd.s32 s22, v2;
	v31 =	vor.u32 s24, v24  }
0x1c: {  	[sflag:s14] =	ssyncset.done $0x0;
	s25 =	simm.s32 @!p0 $0x0;
	v26 =	vadd.s32 s22, v10;
	s23 =	sshrl.u32 @!p0 s23, $0x3;
	v32 =	vor.u32 s24, v25  }
0x1d: {  	[sflag:s14] =	ssyncadd.s32 $0xFFFFB800;
	v27 =	vadd.s32 s22, v7;
	s21 =	sshrl.u32 @!p0 s21, $0x2;
	v33 =	vor.u32 s24, v26;
	s23 =	sadd.s32 @!p0 s3, s23  }
0x1e: {  	v28 =	vadd.s32 s22, v6;
	v34 =	vor.u32 s24, v27;
	[tilespmem:s21], [sflag:$0x1] =	stream.linear.gather @!p0 [hbm4b:s23+s25], $0x4800, $0x38;
	[tilespmem:$0x9380] =	vst v63  }
0x1f: {  	v29 =	vadd.s32 s22, v5;
	v35 =	vor.u32 s24, v28;
	v37 =	vld.idx.msk [tilespmem:v30+s2+$0x0], $0xffff  }
0x20: {  	v36 =	vor.u32 s24, v29;
	v31 =	vld.idx.msk [tilespmem:v31+s2+$0x0], $0xffff  }
0x21: {  	s31 =	simm.s32 $0x1;
	v40 =	vld.idx.msk [tilespmem:v32+s2+$0x0], $0xffff  }
0x22: {  	v45 =	vor.u32 s31, v28;
	v33 =	vld.idx.msk [tilespmem:v33+s2+$0x0], $0xffff  }
0x23: {  	v51 =	vor.u32 s31, v29;
	v30 =	vadd.s32 s22, v1;
	v34 =	vld.idx.msk [tilespmem:v34+s2+$0x0], $0xffff  }
0x24: {  	v35 =	vld.idx.msk [tilespmem:v35+s2+$0x0], $0xffff;
	v38 =	vor.u32 s24, v30  }
0x25: {  	v46 =	vor.u32 s31, v25;
	v32 =	vadd.s32 s22, v3;
	v44 =	vld.idx.msk [tilespmem:v36+s2+$0x0], $0xffff  }
0x26: {  	v39 =	vor.u32 s31, v27;
	v41 =	vor.u32 s31, v24;
	v42 =	vor.u32 s24, v32  }
0x27: {  	v62 =	vor.u32 s31, v26;
	v36 =	vimm.f32 $0.0e+00;
	v45 =	vld.idx.msk [tilespmem:v45+s2+$0x0], $0xffff;
	v31 =	vsub.f32 v31, v40  }
0x28: {  	v51 =	vld.idx.msk [tilespmem:v51+s2+$0x0], $0xffff;
	v43 =	vor.u32 s31, v30;
	v48 =	vsub.f32 v33, v40;
	v34 =	vsub.f32 v34, v40  }
0x29: {  	v52 =	vor.u32 s31, v32;
	v63 =	vsub.f32 v37, v40;
	v35 =	vsub.f32 v35, v40;
	v47 =	vld.idx.msk [tilespmem:v38+s2+$0x0], $0xffff  }
0x2a: {  	v54 =	vsub.f32 v44, v40;
	v37 =	vld.idx.msk [tilespmem:v46+s2+$0x0], $0xffff;
	v44 =	vimm.f32 $0.0e+00;
	v31 =	vmul.f32 v31, v31  }
0x2b: {  	v49 =	vld.idx.msk [tilespmem:v42+s2+$0x0], $0xffff;
	v42 =	vimm.f32 $0.0e+00;
	v53 =	vmul.f32 v48, v48;
	v34 =	vmul.f32 v34, v34  }
0x2c: {  	v38 =	vld.idx.msk [tilespmem:v39+s2+$0x0], $0xffff;
	v39 =	vimm.f32 $0.0e+00;
	v46 =	vmul.f32 v63, v63;
	v31 =	vadd.f32 v31, v36  }
0x2d: {  	v33 =	vld.idx.msk [tilespmem:v41+s2+$0x0], $0xffff;
	v41 =	vadd.f32 v34, v36;
	v34 =	vadd.f32 v53, v36;
	v53 =	vor.u32 s31, v23  }
0x2e: {  	s21 =	simm.s32 $0x2;
	v48 =	vld.idx.msk [tilespmem:v62+s2+$0x0], $0xffff;
	v50 =	vsub.f32 v47, v40;
	v47 =	vmul.f32 v35, v35;
	v35 =	vimm.f32 $0.0e+00  }
.LBB2_3:
0x2f: {  	s22 =	sadd.s32 $0x1, s21  }
0x30: {  	v55 =	vor.u32 s21, v23;
	p0 =	slt.u32 s21, $0x7E;
	v49 =	vsub.f32 v49, v40;
	v40 =	vmul.f32 v54, v54;
	s23 =	smov.u32 s21;
	s21 =	sadd.s32 $0x2, s21  }
0x31: {  	v57 =	vsub.f32 v38, v37;
	v54 =	vor.u32 s23, v27;
	v56 =	vor.u32 s22, v27;
	v43 =	vld.idx.msk [tilespmem:v43+s2+$0x0], $0xffff  }
0x32: {  	v45 =	vsub.f32 v45, v37;
	v58 =	vor.u32 s23, v24;
	v59 =	vor.u32 s23, v26;
	v52 =	vld.idx.msk [tilespmem:v52+s2+$0x0], $0xffff  }
0x33: {  	v50 =	vmul.f32 v50, v50;
	v60 =	vor.u32 s23, v25;
	v36 =	vadd.f32 v40, v36  }
0x34: {  	v61 =	vor.u32 s23, v29;
	v62 =	vor.u32 s23, v28;
	v40 =	vsub.f32 v51, v37;
	v53 =	vld.idx.msk [tilespmem:v53+s2+$0x0], $0xffff  }
0x35: {  	v63 =	vor.u32 s23, v32;
	v48 =	vsub.f32 v48, v37;
	v51 =	vor.u32 s23, v30;
	v55 =	vld.idx.msk [tilespmem:v55+s2+$0x0], $0xffff  }
0x36: {  	v42 =	vadd.f32 v47, v42;
	v0 =	vor.u32 s22, v25;
	v38 =	vld.idx.msk [tilespmem:v56+s2+$0x0], $0xffff;
	v56 =	vor.u32 s22, v24  }
0x37: {  	v44 =	vadd.f32 v46, v44;
	v48 =	vmul.f32 v48, v48;
	v46 =	vmul.f32 v40, v40;
	v47 =	vld.idx.msk [tilespmem:v58+s2+$0x0], $0xffff  }
0x38: {  	v57 =	vmul.f32 v57, v57;
	v43 =	vsub.f32 v43, v37;
	v52 =	vsub.f32 v52, v37;
	v40 =	vld.idx.msk [tilespmem:v60+s2+$0x0], $0xffff  }
0x39: {  	v45 =	vmul.f32 v45, v45;
	v36 =	vadd.f32 v46, v36;
	v46 =	vsub.f32 v33, v37;
	v58 =	vld.idx.msk [tilespmem:v59+s2+$0x0], $0xffff  }
0x3a: {  	v39 =	vadd.f32 v50, v39;
	v49 =	vmul.f32 v49, v49;
	v50 =	vmul.f32 v52, v52;
	v54 =	vld.idx.msk [tilespmem:v54+s2+$0x0], $0xffff  }
0x3b: {  	v42 =	vadd.f32 v45, v42;
	v52 =	vor.u32 s22, v28;
	v33 =	vld.idx.msk [tilespmem:v56+s2+$0x0], $0xffff;
	v56 =	vmul.f32 v43, v43  }
0x3c: {  	v41 =	vadd.f32 v57, v41;
	v37 =	vsub.f32 v53, v37;
	v43 =	vor.u32 s22, v30;
	v59 =	vld.idx.msk [tilespmem:v62+s2+$0x0], $0xffff  }
0x3d: {  	v57 =	vor.u32 s22, v26;
	v35 =	vadd.f32 v49, v35;
	v53 =	vld.idx.msk [tilespmem:v61+s2+$0x0], $0xffff;
	v39 =	vadd.f32 v56, v39  }
0x3e: {  	v37 =	vmul.f32 v37, v37;
	v45 =	vsub.f32 v47, v40;
	v47 =	vor.u32 s22, v29;
	v56 =	vld.idx.msk [tilespmem:v51+s2+$0x0], $0xffff  }
0x3f: {  	v46 =	vmul.f32 v46, v46;
	v35 =	vadd.f32 v50, v35;
	v51 =	vsub.f32 v58, v40;
	v49 =	vld.idx.msk [tilespmem:v63+s2+$0x0], $0xffff  }
0x40: {  	v44 =	vadd.f32 v37, v44;
	v50 =	vsub.f32 v54, v40;
	v58 =	vmul.f32 v45, v45;
	v45 =	vld.idx.msk [tilespmem:v52+s2+$0x0], $0xffff  }
.Ltmp0:
0x41: {  	v34 =	vadd.f32 v48, v34;
	v60 =	vmul.f32 v51, v51;
	v37 =	vld.idx.msk [tilespmem:v0+s2+$0x0], $0xffff;
	v0 =	vadd.f32 v46, v31;
	(pc) =	sbr.rel @p0 .LBB2_3-.Ltmp0, $4  }
0x42: {  	v46 =	vsub.f32 v55, v40;
	v55 =	vsub.f32 v59, v40;
	v59 =	vmul.f32 v50, v50;
	v48 =	vld.idx.msk [tilespmem:v57+s2+$0x0], $0xffff  }
0x43: {  	v52 =	vor.u32 s22, v32;
	v54 =	vsub.f32 v53, v40;
	v31 =	vadd.f32 v58, v0;
	v51 =	vld.idx.msk [tilespmem:v47+s2+$0x0], $0xffff  }
0x44: {  	v50 =	vsub.f32 v56, v40;
	v47 =	vmul.f32 v55, v55;
	v41 =	vadd.f32 v59, v41  }
0x45: {  	v34 =	vadd.f32 v60, v34;
	v53 =	vor.u32 s22, v23;
	v46 =	vmul.f32 v46, v46  }
0x46: {  	_ =	sdelay $0x1  }
0x47: {  	v23 =	vsub.f32 v49, v40;
	v26 =	vsub.f32 v38, v37  }
0x48: {  	v24 =	vmul.f32 v54, v54;
	s21 =	sshll.u32 s20, $0x5;
	v29 =	vsub.f32 v45, v37;
	v57 =	vadd.f32 v47, v42  }
0x49: {  	v0 =	vld.idx.msk [tilespmem:v43+s2+$0x0], $0xffff;
	v58 =	vmul.f32 v50, v50;
	v61 =	vsub.f32 v33, v37;
	s30 =	sshll.u32 s20, $0x7;
	v28 =	vor.u32 s21, v11  }
0x4a: {  	v25 =	vld.idx.msk [tilespmem:v52+s2+$0x0], $0xffff;
	v32 =	vsub.f32 v48, v37;
	v59 =	vadd.f32 v46, v44;
	v52 =	vor.u32 s30, v8  }
0x4b: {  	v30 =	vld.idx.msk [tilespmem:v53+s2+$0x0], $0xffff;
	v53 =	vor.u32 s30, v14;
	v55 =	vor.u32 s30, v15;
	v56 =	vor.u32 s30, v16  }
0x4c: {  	v27 =	vsub.f32 v51, v37;
	v24 =	vadd.f32 v24, v36;
	v23 =	vmul.f32 v23, v23  }
0x4d: {  	v26 =	vmul.f32 v26, v26;
	v60 =	vmul.f32 v29, v29;
	v62 =	vadd.f32 v58, v39  }
0x4e: {  	v29 =	vmul.f32 v61, v61;
	v58 =	vor.u32 s30, v17;
	v23 =	vadd.f32 v23, v35  }
0x4f: {  	v32 =	vmul.f32 v32, v32;
	v0 =	vsub.f32 v0, v37;
	v25 =	vsub.f32 v25, v37  }
0x50: {  	v27 =	vmul.f32 v27, v27;
	v26 =	vadd.f32 v26, v41;
	v30 =	vsub.f32 v30, v37;
	v28 =	vld.idx.msk [tilespmem:v28+s12+$0x0], $0xffff  }
0x51: {  	v29 =	vadd.f32 v29, v31;
	v25 =	vmul.f32 v25, v25;
	v0 =	vmul.f32 v0, v0  }
0x52: {  	v44 =	vadd.f32 v32, v34;
	v24 =	vadd.f32 v27, v24;
	v30 =	vmul.f32 v30, v30  }
0x53: {  	v61 =	vlaneseq.u32;
	v0 =	vadd.f32 v0, v62;
	v23 =	vadd.f32 v25, v23  }
0x54: {  	v27 =	vadd.f32 v60, v57;
	v60 =	vor.u32 s30, v20;
	v63 =	vadd.f32 v30, v59  }
0x55: {  	v28 =	vadd.s32 $0xFFFFFFF8, v28;
	vm1 =	vlt.f32 v23, v0;
	v47 =	vadd.f32 v23, v0  }
0x56: {  	vm0 =	veq.s32 v28, $0x0;
	v46 =	vsel vm1, $0x1, v13;
	vm6 =	veq.s32 v28, $0x1  }
0x57: {  	v33 =	vsel vm1, v23, v0;
	v45 =	vnsel vm0, $0x0, v0;
	v48 =	vnsel vm6, $0x0, v23  }
0x58: {  	vm8 =	veq.s32 v28, $0x2;
	vm9 =	veq.s32 v28, $0x3;
	v31 =	vadd.f32 v48, v45  }
0x59: {  	vm11 =	veq.s32 v28, $0x4;
	vm12 =	veq.s32 v28, $0x5;
	v49 =	vnsel vm8, $0x0, v63  }
0x5a: {  	vm13 =	veq.s32 v28, $0x6;
	vm14 =	veq.s32 v28, $0x7;
	v31 =	vadd.f32 v31, v49  }
0x5b: {  	vm7 =	vlt.f32 v63, v33;
	v34 =	vadd.f32 v63, v47;
	v50 =	vnsel vm9, $0x0, v24  }
0x5c: {  	v51 =	vnsel vm11, $0x0, v27;
	v54 =	vnsel vm12, $0x0, v26;
	v31 =	vadd.f32 v31, v50  }
0x5d: {  	[tilespmem:v52+s15+$0x0] =	vst.idx.msk $0xffff, v0;
	v57 =	vnsel vm13, $0x0, v29;
	v32 =	vsel vm7, $0x2, v46;
	v33 =	vsel vm7, v63, v33  }
0x5e: {  	vm0 =	vlt.f32 v24, v33;
	v34 =	vadd.f32 v24, v34;
	v31 =	vadd.f32 v31, v51  }
0x5f: {  	[tilespmem:v53+s15+$0x0] =	vst.idx.msk $0xffff, v23;
	v0 =	vor.u32 s30, v18;
	v32 =	vsel vm0, $0x3, v32;
	v33 =	vsel vm0, v24, v33  }
0x60: {  	vm10 =	vlt.f32 v27, v33;
	v34 =	vadd.f32 v27, v34;
	v31 =	vadd.f32 v31, v54  }
0x61: {  	v59 =	vnsel vm14, $0x0, v44;
	[tilespmem:v55+s15+$0x0] =	vst.idx.msk $0xffff, v63;
	v32 =	vsel vm10, $0x4, v32;
	v33 =	vsel vm10, v27, v33  }
0x62: {  	vm0 =	vlt.f32 v26, v33;
	v34 =	vadd.f32 v26, v34;
	v31 =	vadd.f32 v31, v57  }
0x63: {  	v23 =	vor.u32 s30, v19;
	[tilespmem:v56+s15+$0x0] =	vst.idx.msk $0xffff, v24;
	v33 =	vsel vm0, v26, v33;
	v32 =	vsel vm0, $0x5, v32  }
0x64: {  	s31 =	sshll.u32 s20, $0x4;
	vm2 =	vlt.f32 v29, v33;
	v34 =	vadd.f32 v29, v34;
	v31 =	vadd.f32 v31, v59  }
0x65: {  	p0 =	sne.s32 s19, $0x4;
	[tilespmem:v58+s15+$0x0] =	vst.idx.msk $0xffff, v27;
	v24 =	vor.u32 s31, v61;
	v33 =	vsel vm2, v29, v33;
	v32 =	vsel vm2, $0x6, v32  }
.Ltmp1:
0x66: {  	vm15 =	vlt.f32 v44, v33;
	v62 =	vadd.f32 v44, v34;
	v31 =	vadd.f32 v31, v31;
	(pc) =	sbr.rel @p0 .LBB2_2-.Ltmp1, $4  }
0x67: {  	[tilespmem:v0+s15+$0x0] =	vst.idx.msk $0xffff, v26;
	v63 =	vsel vm15, $0x7, v32  }
0x68: {  	[tilespmem:v23+s15+$0x0] =	vst.idx.msk $0xffff, v29;
	vm0 =	veq.s32 v63, v28;
	v0 =	vsub.f32 v31, v62  }
0x69: {  	[tilespmem:v60+s15+$0x0] =	vst.idx.msk $0xffff, v44;
	v23 =	vsel vm0, $0x3F800000, v12  }
0x6a: {  	s20 =	smov.u32 s19;
	[tilespmem:v24+s16+$0x0] =	vst.idx.msk $0xffff, v63;
	v21 =	vadd.f32 v23, v21;
	v22 =	vadd.f32 v0, v22  }
0x6b: {  	[hbm4b:s7+s2] =	stream.linear.scatter [tilespmem:s15], [sflag:$0x2], $0x200, $0x38;
	[tilespmem:$0x9380] =	vst v63  }
0x6c: {  	_ =	swait.ge [sflag:s13], $0x200  }
0x6d: {  	[sflag:s13] =	ssyncset.done $0x0  }
0x6e: {  	[sflag:s13] =	ssyncadd.s32 $0xFFFFFE00  }
0x6f: {  	[hbm4b:s8+s2] =	stream.linear.scatter [tilespmem:s16], [sflag:$0x2], $0x40, $0x38;
	[tilespmem:$0x9380] =	vst v63  }
0x70: {  	_ =	swait.ge [sflag:s13], $0x40  }
0x71: {  	[sflag:s13] =	ssyncset.done $0x0  }
0x72: {  	[sflag:s13] =	ssyncadd.s32 $0xFFFFFFC0  }
0x73: {  	[tilespmem:$0x9300] =	vst v22  }
0x74: {  	[hbm4b:s9+s2] =	stream.linear.scatter [tilespmem:s17], [sflag:$0x2], $0x10, $0x38;
	[tilespmem:$0x9380] =	vst v63  }
0x75: {  	_ =	swait.ge [sflag:s13], $0x10  }
0x76: {  	s18 =	sadd.s32 $0x1, s18;
	[sflag:s13] =	ssyncset.done $0x0  }
0x77: {  	p0 =	sne.s32 s18, s11;
	[sflag:s13] =	ssyncadd.s32 $0xFFFFFFF0  }
.Ltmp2:
0x78: {  	[tilespmem:$0x9300] =	vst v21;
	(pc) =	sbr.rel @p0 .LBB2_1-.Ltmp2, $4  }
0x79: {  	[hbm4b:s10+s2] =	stream.linear.scatter [tilespmem:s17], [sflag:$0x2], $0x10, $0x38;
	[tilespmem:$0x9380] =	vst v63  }
0x7a: {  	_ =	swait.ge [sflag:s13], $0x10  }
0x7b: {  	[sflag:s13] =	ssyncset.done $0x0  }
0x7c: {  	[sflag:s13] =	ssyncadd.s32 $0xFFFFFFF0  }
0x7d: {  	_ =	sfence.sel $0x180000  }
0x7e: {  	[bflag:$0x0] =	sbarrier.arrive $0xFFFF  }
0x7f: {  	p0 =	sne.s32 s1, $0x0;
	_ =	strace $0x90000047  }
0x80: {  	s0 =	sadd.s32 @!p0 $0x100000, s0;
	[bflag:$0x2] =	sbarrier.arrive $0xFFFF  }
0x81: {  	[sflag:s0] =	ssyncadd.tile.s32 @!p0 $0x1;
	_ =	shalt  }
.Lfunc_end2:
_tile_overlayer_lowered:
.L_overlay_start_2:
0x82: {  	(tag) =	ssettag $0x2  }
0x83: {  	s0 =	rddreg [dreg:$0x0];
	s2 =	stileid.u32  }
0x84: {  	s1 =	rddreg [dreg:$0x1];
	p0 =	sne.s32 s2, $0x0  }
0x85: {  	s3 =	rddreg [dreg:$0x2];
	[bflag:$0x3] =	sbarrier.arrive $0xFFFF;
	s2 =	simm.s32 @!p0 $0x1C02  }
0x86: {  	[timem:s3], [sflag:s2] =	dma.local @!p0 [hbm:s0], s1  }
0x87: {  	s0 =	simm.s32 @!p0 $0x2  }
0x88: {  	_ =	swait.ge @!p0 [sflag:s0], s1  }
0x89: {  	s1 =	ssub.s32 @!p0 $0x0, s1;
	[sflag:s0] =	ssyncset.done @!p0 $0x0  }
0x8a: {  	[sflag:s0] =	ssyncadd.s32 @!p0 s1  }
0x8b: {  	[bflag:$0x3] =	sbarrier.arrive $0xFFFF  }
0x8c: {  	_ =	shalt  }

// kernel: kernel.8.cloned.1.call-start
scs
__scs_entry_jumppad:
0x0: {  	(pc) =	sbr.rel $0x88, $3  }
0x1: {  	(tag) =	ssettag $0x0;
	lr =	simm.s32 $0x1  }
0x2: {  	[smem:$0x3F9F] =	sst lr;
	_ =	strace $0xD0000000  }
0x3: {  	_ = 	snop  }
0x4: {  	_ = 	snop  }
0x5: {  	_ = 	snop  }
0x6: {  	_ = 	snop  }
0x7: {  	_ = 	snop  }
__scs_overlays_trampoline_lowered:
0x8: {  	[smem:$0x3FAE] =	sst s0  }
0x9: {  	[smem:$0x3FAF] =	sst s1  }
0xa: {  	[smem:$0x3FB0] =	sst s2  }
0xb: {  	[smem:$0x3FB1] =	sst s3  }
0xc: {  	[smem:$0x3FB2] =	sst s4  }
0xd: {  	[smem:$0x3FB3] =	sst s5  }
0xe: {  	[smem:$0x3FB4] =	sst s6  }
0xf: {  	[smem:$0x3FB5] =	sst s7  }
0x10: {  	[smem:$0x3FB6] =	sst s8  }
0x11: {  	[smem:$0x3FB7] =	sst s9;
	s0 =	simm.s32 @!p0 $0x0  }
0x12: {  	s1 =	sld [smem:$0x3F9D];
	s0 =	simm.s32 @p0 $0x1  }
0x13: {  	[smem:$0x3FB8] =	sst s0;
	s0 =	simm.s32 @!p1 $0x0  }
0x14: {  	s2 =	sld [smem:$0x3F9C];
	s0 =	simm.s32 @p1 $0x1  }
0x15: {  	[smem:$0x3FB9] =	sst s0;
	s0 =	simm.s32 @!p2 $0x0  }
0x16: {  	s3 =	sld [smem:$0x3FDB];
	s0 =	simm.s32 @p2 $0x1  }
0x17: {  	s4 =	simm.s32 $0x1BF5;
	[smem:$0x3FBB] =	sst s0  }
0x18: {  	s0 =	sld [smem:$0x3F9E];
	_ =	swait.ge [sflag:s4], $0x0  }
0x19: {  	s7 =	sld [smem:$0x3F9F]  }
0x1a: {  	s8 =	sadd.s32 $0xFFFFE003, lr  }
0x1b: {  	s9 =	sadd.s32 $0xFFFFFEF7, lr;
	s5 =	simm.s32 $0xFFFFFFFF;
	p2 =	slt.u32 s8, $0xFFFFF086  }
0x1c: {  	p1 =	slt.u32 s9, $0xF7A;
	s5 =	simm.s32 @!p2 $0x0  }
0x1d: {  	s5 =	simm.s32 @p1 $0x1;
	p0 =	seq.s32 s7, s2  }
0x1e: {  	s7 =	smul.u32 @!p0 $0xF7A, s2;
	p2 =	seq.s32 @!p0 s5, $0x0  }
0x1f: {  	s9 =	smul.u32 $0xF7A, s1;
	s8 =	simm.s32 @!p0 $0x1BF5;
	p2 =	por !p2, p0  }
0x20: {  	[sflag:s8] =	ssyncset.s32 @!p0 $0xFFFFF086;
	s6 =	sadd.s32 @!p0 s3, s7;
	s7 =	simm.s32 @!p0 $0x108  }
0x21: {  	s3 =	sadd.s32 s3, s9;
	s6 =	sadd.s32 @!p0 $0x88, s6;
	s7 =	simm.s32 @p2 $0x1082  }
0x22: {  	[simem:s7], [sflag:s8] =	dma.local @!p0 [hbm:s6], $0xF7A  }
0x23: {  	s9 =	sor.u32 $0xD0000000, s2;
	s6 =	simm.s32 $0x108;
	_ =	swait.ge @!p0 [sflag:s8], $0x0  }
0x24: {  	s3 =	sadd.s32 $0x88, s3;
	s6 =	simm.s32 @!p1 $0x1082;
	[sflag:s4] =	ssyncset.s32 $0xFFFFF086  }
0x25: {  	[simem:s6], [sflag:s4] =	dma.local [hbm:s3], $0xF7A  }
0x26: {  	[smem:$0x3F9F] =	sst s1;
	(tag) =	ssettag s2;
	_ =	strace s9  }
0x27: {  	s1 =	sld [smem:$0x3FAF]  }
0x28: {  	s2 =	sld [smem:$0x3FB0]  }
0x29: {  	s4 =	sld [smem:$0x3FB2]  }
0x2a: {  	p0 =	seq.s32 s5, $0x0;
	s5 =	sld [smem:$0x3FB3]  }
0x2b: {  	s6 =	sld [smem:$0x3FB4]  }
0x2c: {  	s7 =	sld [smem:$0x3FB5]  }
0x2d: {  	s3 =	simm.s32 $0x108;
	s8 =	sld [smem:$0x3FB6]  }
0x2e: {  	s3 =	simm.s32 @!p0 $0x1082;
	s9 =	sld [smem:$0x3FB7]  }
0x2f: {  	lr =	sadd.s32 s0, s3;
	s0 =	sld [smem:$0x3FAE]  }
0x30: {  	s3 =	sld [smem:$0x3FB1]  }
0x31: {  	[smem:$0x3FBA] =	sst s10  }
0x32: {  	s10 =	sld [smem:$0x3FB8];
	_ =	sdelay $0x3  }
0x33: {  	p0 =	seq.s32 s10, $0x1;
	s10 =	sld [smem:$0x3FBA];
	_ =	sdelay $0x3  }
0x34: {  	[smem:$0x3FBA] =	sst s10  }
0x35: {  	s10 =	sld [smem:$0x3FB9];
	_ =	sdelay $0x3  }
0x36: {  	p1 =	seq.s32 s10, $0x1;
	s10 =	sld [smem:$0x3FBA];
	_ =	sdelay $0x3  }
0x37: {  	[smem:$0x3FBA] =	sst s10  }
0x38: {  	s10 =	sld [smem:$0x3FBB]  }
0x39: {  	_ = 	snop;
	(pc) =	sbr.ind lr, $3  }
0x3a: {  	_ = 	snop  }
0x3b: {  	_ = 	snop  }
0x3c: {  	p2 =	seq.s32 s10, $0x1;
	s10 =	sld [smem:$0x3FBA]  }
0x3d: {  	_ =	shalt  }
0x3e: {  	_ =	shalt  }
0x3f: {  	_ =	shalt  }
0x40: {  	_ =	shalt  }
0x41: {  	_ =	shalt  }
0x42: {  	_ =	shalt  }
0x43: {  	_ =	shalt  }
0x44: {  	_ =	shalt  }
0x45: {  	_ =	shalt  }
0x46: {  	_ =	shalt  }
0x47: {  	_ =	shalt  }
0x48: {  	_ =	shalt  }
0x49: {  	_ =	shalt  }
0x4a: {  	_ =	shalt  }
0x4b: {  	_ =	shalt  }
0x4c: {  	_ =	shalt  }
0x4d: {  	_ =	shalt  }
0x4e: {  	_ =	shalt  }
0x4f: {  	_ =	shalt  }
0x50: {  	_ =	shalt  }
0x51: {  	_ =	shalt  }
0x52: {  	_ =	shalt  }
0x53: {  	_ =	shalt  }
0x54: {  	_ =	shalt  }
0x55: {  	_ =	shalt  }
0x56: {  	_ =	shalt  }
0x57: {  	_ =	shalt  }
0x58: {  	_ =	shalt  }
0x59: {  	_ =	shalt  }
0x5a: {  	_ =	shalt  }
0x5b: {  	_ =	shalt  }
0x5c: {  	_ =	shalt  }
0x5d: {  	_ =	shalt  }
0x5e: {  	_ =	shalt  }
0x5f: {  	_ =	shalt  }
0x60: {  	_ =	shalt  }
0x61: {  	_ =	shalt  }
0x62: {  	_ =	shalt  }
0x63: {  	_ =	shalt  }
0x64: {  	_ =	shalt  }
0x65: {  	_ =	shalt  }
0x66: {  	_ =	shalt  }
0x67: {  	_ =	shalt  }
0x68: {  	_ =	shalt  }
0x69: {  	_ =	shalt  }
0x6a: {  	_ =	shalt  }
0x6b: {  	_ =	shalt  }
0x6c: {  	_ =	shalt  }
0x6d: {  	_ =	shalt  }
0x6e: {  	_ =	shalt  }
0x6f: {  	_ =	shalt  }
0x70: {  	_ =	shalt  }
0x71: {  	_ =	shalt  }
0x72: {  	_ =	shalt  }
0x73: {  	_ =	shalt  }
0x74: {  	_ =	shalt  }
0x75: {  	_ =	shalt  }
0x76: {  	_ =	shalt  }
0x77: {  	_ =	shalt  }
0x78: {  	_ =	shalt  }
0x79: {  	_ =	shalt  }
0x7a: {  	_ =	shalt  }
0x7b: {  	_ =	shalt  }
0x7c: {  	_ =	shalt  }
0x7d: {  	_ =	shalt  }
0x7e: {  	_ =	shalt  }
0x7f: {  	_ =	shalt  }
0x80: {  	_ =	shalt  }
0x81: {  	_ =	shalt  }
0x82: {  	_ =	shalt  }
0x83: {  	_ =	shalt  }
0x84: {  	_ =	shalt  }
0x85: {  	_ =	shalt  }
0x86: {  	_ =	shalt  }
0x87: {  	_ =	shalt  }
.Lfunc_end0:
.L_simem_size_0:
called_computation.1_lowered:
.L_overlay_start_0:
0x88: {  	s2 =	sld [smem:$0x3FD9]  }
0x89: {  	s3 =	sld [smem:$0x3FFE];
	_ =	sdelay $0x1  }
0x8a: {  	s1 =	srdreg.scid  }
0x8b: {  	s0 =	sand.u32 $0x1, s1  }
0x8c: {  	s14 =	sshll.u32 s0, $0xA;
	s2 =	sadd.s32 s3, s2  }
0x8d: {  	s2 =	sadd.s32 s2, s14  }
0x8e: {  	[smem:$0x3FC6] =	sst s2  }
0x8f: {  	_ = 	snop  }
0x90: {  	s2 =	sld [smem:$0x3FD0];
	_ =	sdelay $0x2  }
0x91: {  	s15 =	simm.s32 $0xA;
	s4 =	simm.s32 $0x10  }
0x92: {  	[smem:s4], [sflag:s15] =	dma.local [hbm:s2], $0x1  }
0x93: {  	_ =	swait.eq [sflag:s15], $0x1  }
0x94: {  	[sflag:s15] =	ssyncset.done $0x0  }
0x95: {  	s16 =	sld [smem:$0x12];
	[sflag:s15] =	ssyncadd.s32 $0xFFFFFFFF  }
0x96: {  	s17 =	sld [smem:$0x13];
	(tm) =	ssettm $0x1  }
0x97: {  	s18 =	sld [smem:$0x3FFB];
	_ =	sdelay $0x3  }
0x98: {  	_ =	strace s18  }
0x99: {  	s4 =	sld [smem:$0x3FFC];
	_ =	sdelay $0x3  }
0x9a: {  	_ =	strace s4  }
0x9b: {  	s4 =	sld [smem:$0x3FFD];
	_ =	sdelay $0x3  }
0x9c: {  	_ =	strace s4  }
0x9d: {  	_ =	strace $0x8FFFFFFF  }
0x9e: {  	s19 =	sld [smem:$0x3FDB];
	_ =	sdelay $0x1  }
0x9f: {  	s5 =	simm.s32 $_scs_section_size  }
0xa0: {  	s6 =	simm.s32 $_size__tile_overlayer_lowered;
	s7 =	simm.s32 $_tile_overlayer_lowered  }
0xa1: {  	s22 =	simm.s32 $0x1BFF;
	s21 =	sshll.u32 s7, $0x1;
	s4 =	sadd.s32 s5, s19  }
0xa2: {  	s8 =	simm.s32 $0x0;
	s20 =	sshll.u32 s6, $0x1;
	s6 =	sadd.s32 s21, s4  }
0xa3: {  	[timem:s8], [sflag:s22] =	dma.local [hbm:s6], s20  }
0xa4: {  	_ =	swait.ge [sflag:s22], s20  }
0xa5: {  	s5 =	ssub.s32 $0x0, s20;
	[sflag:s22] =	ssyncset.done $0x0  }
0xa6: {  	[sflag:s22] =	ssyncadd.s32 s5;
	_ =	sdelay $0x1  }
0xa7: {  	s23 =	simm.s32 $0x1B8B  }
0xa8: {  	_ =	swait.ge [sflag:s23], $0x1  }
0xa9: {  	[sflag:s23] =	ssyncset.done $0x0  }
0xaa: {  	s25 =	simm.s32 $0x1B8E;
	s24 =	sld [smem:$0x3FFE];
	[sflag:s23] =	ssyncadd.s32 $0xFFFFFFFF  }
0xab: {  	s26 =	simm.s32 $execute0_lowered;
	[smem:$0x3FD2] =	sst s25  }
0xac: {  	s6 =	sshll.u32 s26, $0x1;
	_ =	strace $0x80000049;
	[dreg:$0x1] =	wrdreg $0xFFFFFFFF  }
0xad: {  	s28 =	simm.s32 $_size_execute0_lowered;
	s4 =	sadd.s32 s4, s6;
	[dreg:$0x0] =	wrdreg $0x0  }
0xae: {  	s6 =	sshll.u32 s28, $0x1;
	[dreg:$0x2] =	wrdreg s4  }
0xaf: {  	[dreg:$0x3] =	wrdreg s6  }
0xb0: {  	[dreg:$0x4] =	wrdreg $0xC0  }
0xb1: {  	_ =	task [dreg:s8], $0x5FFFF  }
0xb2: {  	[dreg:$0x1] =	wrdreg $0xFFFFFFFF  }
0xb3: {  	[dreg:$0x0] =	wrdreg $0x60  }
0xb4: {  	[dreg:$0x2] =	wrdreg s24  }
0xb5: {  	[dreg:$0x3] =	wrdreg s16  }
0xb6: {  	[dreg:$0x4] =	wrdreg s17  }
0xb7: {  	[dreg:$0x5] =	wrdreg $0x9  }
0xb8: {  	_ =	task.clear_ibuf [dreg:s8], $0x6FFFF;
	_ =	strace $0x90000049  }
0xb9: {  	s29 =	simm.s32 $0x9;
	_ =	strace $0x8000004B  }
0xba: {  	_ =	swait.ge [sflag:s29], $0x1  }
0xbb: {  	[sflag:s29] =	ssyncadd.s32 $0xFFFFFFFF  }
0xbc: {  	_ =	strace $0x9000004B  }
0xbd: {  	_ =	sfence  }
0xbe: {  	s30 =	sld [smem:$0x0];
	_ =	sdelay $0x2  }
0xbf: {  	s31 =	sshll.u32 s1, $0xD;
	s1 =	sshrl.u32 s1, $0x2  }
0xc0: {  	s3 =	sand.u32 $0x4000, s31;
	s1 =	sadd.s32 s1, s30  }
0xc1: {  	s0 =	sor.u32 s3, s0;
	s1 =	sshll.u32 s1, $0x11  }
0xc2: {  	s0 =	sor.u32 s1, s0  }
0xc3: {  	s0 =	sadd.s32 $0x8F2B, s0  }
0xc4: {  	[sflag:s0] =	ssyncadd.remote.s32 $0x1  }
0xc5: {  	_ =	sfence.sel $0xFFFF  }
0xc6: {  	[dreg:$0x0] =	wrdreg $0xFFFFFFFF;
	(pc) =	sbr.abs _section_cstart, $3  }
0xc7: {  	[dreg:$0x1] =	wrdreg $0xFFFFFFFF  }
0xc8: {  	_ =	task.clear_ibuf [dreg:s8], $0x2FFFF;
	_ =	strace $0x9FFFFFFF  }
0xc9: {  	(tm) =	ssettm $0x7FFFFFFF  }
tec
execute0_lowered:
.L_overlay_start_1:
0x0: {  	(tag) =	ssettag $0x1  }
0x1: {  	s0 =	srdreg.scid  }
0x2: {  	s13 =	sand.u32 $0x1, s0;
	s0 =	stileid.u32  }
0x3: {  	s4 =	sshll.u32 s0, $0x1;
	s5 =	ssub.s32 $0x0, s13  }
0x4: {  	p0 =	sne.s32 s4, s5  }
.Ltmp0:
0x5: {  	_ = 	snop;
	(pc) =	sbr.rel @p0 .LBB2_4-.Ltmp0, $4  }
0x6: {  	s11 =	rddreg [dreg:$0x0]  }
0x7: {  	s3 =	rddreg [dreg:$0x1]  }
0x8: {  	s2 =	rddreg [dreg:$0x2]  }
0x9: {  	s1 =	rddreg [dreg:$0x3];
	_ =	strace $0x8000004A  }
0xa: {  	s6 =	sadd.s32 $0x49600, s11;
	s5 =	simm.s32 $0x0;
	s4 =	simm.s32 $0x1  }
0xb: {  	[tilespmem:s5], [sflag:$0x1] =	stream.linear.gather [hbm4b:s6+s5], $0x200, $0x38;
	[tilespmem:$0x600] =	vst v63  }
0xc: {  	_ =	swait.ge [sflag:s4], $0x200  }
0xd: {  	[sflag:s4] =	ssyncset.done $0x0  }
0xe: {  	s7 =	sadd.s32 $0x49800, s11;
	s8 =	simm.s32 $0x200;
	[sflag:s4] =	ssyncadd.s32 $0xFFFFFE00  }
0xf: {  	[tilespmem:s8], [sflag:$0x1] =	stream.linear.gather [hbm4b:s7+s5], $0x200, $0x38;
	[tilespmem:$0x600] =	vst v63  }
0x10: {  	_ =	swait.ge [sflag:s4], $0x200  }
0x11: {  	[sflag:s4] =	ssyncset.done $0x0  }
0x12: {  	s9 =	sadd.s32 $0x49A00, s11;
	s10 =	simm.s32 $0x400;
	[sflag:s4] =	ssyncadd.s32 $0xFFFFFE00  }
0x13: {  	[tilespmem:s10], [sflag:$0x1] =	stream.linear.gather [hbm4b:s9+s5], $0x80, $0x38;
	[tilespmem:$0x600] =	vst v63  }
0x14: {  	_ =	swait.ge [sflag:s4], $0x80  }
0x15: {  	[sflag:s4] =	ssyncset.done $0x0  }
0x16: {  	s11 =	sadd.s32 $0x49C00, s11;
	s12 =	simm.s32 $0x480;
	[sflag:s4] =	ssyncadd.s32 $0xFFFFFF80  }
0x17: {  	[tilespmem:s12], [sflag:$0x1] =	stream.linear.gather [hbm4b:s11+s5], $0x80, $0x38;
	[tilespmem:$0x600] =	vst v63  }
0x18: {  	_ =	swait.ge [sflag:s4], $0x80  }
0x19: {  	[sflag:s4] =	ssyncset.done $0x0  }
0x1a: {  	[sflag:s4] =	ssyncadd.s32 $0xFFFFFF80  }
0x1b: {  	v0 =	vld [tilespmem:$0x490]  }
0x1c: {  	v1 =	vld [tilespmem:$0x400]  }
0x1d: {  	v2 =	vld [tilespmem:$0x480]  }
0x1e: {  	v3 =	vld [tilespmem:$0x410]  }
0x1f: {  	v4 =	vld [tilespmem:$0x200]  }
0x20: {  	v5 =	vld [tilespmem:$0x0]  }
0x21: {  	v6 =	vld [tilespmem:$0x210]  }
0x22: {  	v55 =	vld [tilespmem:$0x10];
	v0 =	vadd.f32 v0, v2  }
0x23: {  	v56 =	vld [tilespmem:$0x220];
	v1 =	vadd.f32 v3, v1  }
0x24: {  	v57 =	vld [tilespmem:$0x20];
	v0 =	vadd.f32 v4, v0  }
0x25: {  	v58 =	vld [tilespmem:$0x230];
	v1 =	vadd.f32 v5, v1  }
0x26: {  	v59 =	vld [tilespmem:$0x30];
	v0 =	vadd.f32 v6, v0  }
0x27: {  	v60 =	vld [tilespmem:$0x240];
	v1 =	vadd.f32 v55, v1  }
0x28: {  	v61 =	vld [tilespmem:$0x40];
	v0 =	vadd.f32 v56, v0  }
0x29: {  	v62 =	vld [tilespmem:$0x250];
	v1 =	vadd.f32 v57, v1  }
0x2a: {  	v63 =	vld [tilespmem:$0x50];
	v0 =	vadd.f32 v58, v0  }
0x2b: {  	v9 =	vld [tilespmem:$0x260];
	v1 =	vadd.f32 v59, v1  }
0x2c: {  	v10 =	vld [tilespmem:$0x60];
	v0 =	vadd.f32 v60, v0  }
0x2d: {  	v11 =	vld [tilespmem:$0x270];
	v1 =	vadd.f32 v61, v1  }
0x2e: {  	v12 =	vld [tilespmem:$0x70];
	v0 =	vadd.f32 v62, v0  }
0x2f: {  	v13 =	vld [tilespmem:$0x280];
	v1 =	vadd.f32 v63, v1  }
0x30: {  	v14 =	vld [tilespmem:$0x80];
	v0 =	vadd.f32 v9, v0  }
0x31: {  	v15 =	vld [tilespmem:$0x290];
	v1 =	vadd.f32 v10, v1  }
0x32: {  	v16 =	vld [tilespmem:$0x90];
	v0 =	vadd.f32 v11, v0  }
0x33: {  	v17 =	vld [tilespmem:$0x2A0];
	v1 =	vadd.f32 v12, v1  }
0x34: {  	v18 =	vld [tilespmem:$0xA0];
	v0 =	vadd.f32 v13, v0  }
0x35: {  	v19 =	vld [tilespmem:$0x2B0];
	v1 =	vadd.f32 v14, v1  }
0x36: {  	v20 =	vld [tilespmem:$0xB0];
	v0 =	vadd.f32 v15, v0  }
0x37: {  	v21 =	vld [tilespmem:$0x2C0];
	v1 =	vadd.f32 v16, v1  }
0x38: {  	v22 =	vld [tilespmem:$0xC0];
	v0 =	vadd.f32 v17, v0  }
0x39: {  	v23 =	vld [tilespmem:$0x2D0];
	v1 =	vadd.f32 v18, v1  }
0x3a: {  	v24 =	vld [tilespmem:$0xD0];
	v0 =	vadd.f32 v19, v0  }
0x3b: {  	v25 =	vld [tilespmem:$0x2E0];
	v1 =	vadd.f32 v20, v1  }
0x3c: {  	v26 =	vld [tilespmem:$0xE0];
	v0 =	vadd.f32 v21, v0  }
0x3d: {  	v27 =	vld [tilespmem:$0x2F0];
	v1 =	vadd.f32 v22, v1  }
0x3e: {  	v28 =	vld [tilespmem:$0xF0];
	v0 =	vadd.f32 v23, v0  }
0x3f: {  	v29 =	vld [tilespmem:$0x300];
	v1 =	vadd.f32 v24, v1  }
0x40: {  	v30 =	vld [tilespmem:$0x100];
	v0 =	vadd.f32 v25, v0  }
0x41: {  	v31 =	vld [tilespmem:$0x310];
	v1 =	vadd.f32 v26, v1  }
0x42: {  	v32 =	vld [tilespmem:$0x110];
	v0 =	vadd.f32 v27, v0  }
0x43: {  	v33 =	vld [tilespmem:$0x320];
	v1 =	vadd.f32 v28, v1  }
0x44: {  	v34 =	vld [tilespmem:$0x120];
	v0 =	vadd.f32 v29, v0  }
0x45: {  	v35 =	vld [tilespmem:$0x330];
	v1 =	vadd.f32 v30, v1  }
0x46: {  	v36 =	vld [tilespmem:$0x130];
	v0 =	vadd.f32 v31, v0  }
0x47: {  	v37 =	vld [tilespmem:$0x340];
	v1 =	vadd.f32 v32, v1  }
0x48: {  	v38 =	vld [tilespmem:$0x140];
	v0 =	vadd.f32 v33, v0  }
0x49: {  	v39 =	vld [tilespmem:$0x350];
	v1 =	vadd.f32 v34, v1  }
0x4a: {  	v40 =	vld [tilespmem:$0x150];
	v0 =	vadd.f32 v35, v0  }
0x4b: {  	v41 =	vld [tilespmem:$0x360];
	v1 =	vadd.f32 v36, v1  }
0x4c: {  	v42 =	vld [tilespmem:$0x160];
	v0 =	vadd.f32 v37, v0  }
0x4d: {  	v43 =	vld [tilespmem:$0x370];
	v1 =	vadd.f32 v38, v1  }
0x4e: {  	v44 =	vld [tilespmem:$0x170];
	v0 =	vadd.f32 v39, v0  }
0x4f: {  	v45 =	vld [tilespmem:$0x380];
	v1 =	vadd.f32 v40, v1  }
0x50: {  	v46 =	vld [tilespmem:$0x180];
	v0 =	vadd.f32 v41, v0  }
0x51: {  	v47 =	vld [tilespmem:$0x390];
	v1 =	vadd.f32 v42, v1  }
0x52: {  	v48 =	vld [tilespmem:$0x190];
	v0 =	vadd.f32 v43, v0  }
0x53: {  	v49 =	vld [tilespmem:$0x3A0];
	v1 =	vadd.f32 v44, v1  }
0x54: {  	v50 =	vld [tilespmem:$0x1A0];
	v0 =	vadd.f32 v45, v0  }
0x55: {  	v51 =	vld [tilespmem:$0x3B0];
	v1 =	vadd.f32 v46, v1  }
0x56: {  	v52 =	vld [tilespmem:$0x1B0];
	v0 =	vadd.f32 v47, v0  }
0x57: {  	v53 =	vld [tilespmem:$0x3C0];
	v1 =	vadd.f32 v48, v1  }
0x58: {  	v54 =	vld [tilespmem:$0x1C0];
	v0 =	vadd.f32 v49, v0  }
0x59: {  	v55 =	vld [tilespmem:$0x3D0];
	v1 =	vadd.f32 v50, v1  }
0x5a: {  	v56 =	vld [tilespmem:$0x1D0];
	v0 =	vadd.f32 v51, v0  }
0x5b: {  	v57 =	vld [tilespmem:$0x3E0];
	v1 =	vadd.f32 v52, v1  }
0x5c: {  	v58 =	vld [tilespmem:$0x1E0];
	v0 =	vadd.f32 v53, v0  }
0x5d: {  	v59 =	vld [tilespmem:$0x3F0];
	v1 =	vadd.f32 v54, v1  }
0x5e: {  	v60 =	vld [tilespmem:$0x1F0];
	v0 =	vadd.f32 v55, v0  }
0x5f: {  	v1 =	vadd.f32 v56, v1  }
0x60: {  	v0 =	vadd.f32 v57, v0  }
0x61: {  	v1 =	vadd.f32 v58, v1  }
0x62: {  	v0 =	vadd.f32 v59, v0  }
0x63: {  	v1 =	vadd.f32 v60, v1  }
0x64: {  	(xrf2) =	vadd.scan.msk.f32 $0xffff, v0  }
0x65: {  	(xrf2) =	vadd.scan.msk.f32 $0xffff, v1;
	_ =	sdelay $0x8  }
0x66: {  	v0, _, _ =	vpop (xrf2)  }
0x67: {  	(v2sf) =	vpush v0, $0xF;
	v61, _, _ =	vpop (xrf2)  }
0x68: {  	(v2sf) =	vpush v61, $0xF;
	_ =	sdelay $0xb  }
0x69: {  	s13 =	ssub.s32 $0x2, s13  }
0x6a: {  	s16 =	sshrl.u32 s13, $0x1  }
0x6b: {  	s13 =	ssub.s32 s13, s16;
	s14 =	spop (v2sf)  }
0x6c: {  	s31 =	smax.u32 s13, $0x1;
	s14 =	smul.f32 $6.103515630e-05, s14;
	s15 =	spop (v2sf)  }
0x6d: {  	p0 =	sne.s32 s31, $0x1;
	s15 =	smul.f32 $7.629394530e-06, s15  }
.Ltmp1:
0x6e: {  	v62 =	vmov s14;
	(pc) =	sbr.rel @!p0 .LBB2_3-.Ltmp1, $4  }
0x6f: {  	[tilespmem:$0x580] =	vst v62;
	v63 =	vmov s15  }
0x70: {  	s13 =	simm.s32 $0x500;
	[tilespmem:$0x500] =	vst v63  }
0x71: {  	[hbm4b:s3+s5] =	stream.linear.scatter [tilespmem:s13], [sflag:$0x1], $0x80, $0x38;
	[tilespmem:$0x600] =	vst v63  }
0x72: {  	s14 =	simm.s32 $0x580;
	s15 =	sadd.s32 $0xFFFFFFFF, s31;
	_ =	swait.ge [sflag:s4], $0x80  }
.LBB2_2:
0x73: {  	p0 =	sne.s32 s15, $0x1;
	s15 =	sadd.s32 $0xFFFFFFFF, s15;
	[sflag:s4] =	ssyncset.done $0x0  }
0x74: {  	[sflag:s4] =	ssyncadd.s32 $0xFFFFFF80  }
0x75: {  	[hbm4b:s2+s5] =	stream.linear.scatter [tilespmem:s14], [sflag:$0x1], $0x80, $0x38;
	[tilespmem:$0x600] =	vst v63  }
0x76: {  	_ =	swait.ge [sflag:s4], $0x80  }
0x77: {  	[sflag:s4] =	ssyncset.done $0x0  }
0x78: {  	[sflag:s4] =	ssyncadd.s32 $0xFFFFFF80  }
0x79: {  	[tilespmem:s5], [sflag:$0x1] =	stream.linear.gather [hbm4b:s6+s5], $0x200, $0x38;
	[tilespmem:$0x600] =	vst v63  }
0x7a: {  	_ =	swait.ge [sflag:s4], $0x200  }
0x7b: {  	[sflag:s4] =	ssyncset.done $0x0  }
0x7c: {  	[sflag:s4] =	ssyncadd.s32 $0xFFFFFE00  }
0x7d: {  	[tilespmem:s8], [sflag:$0x1] =	stream.linear.gather [hbm4b:s7+s5], $0x200, $0x38;
	[tilespmem:$0x600] =	vst v63  }
0x7e: {  	_ =	swait.ge [sflag:s4], $0x200  }
0x7f: {  	[sflag:s4] =	ssyncset.done $0x0  }
0x80: {  	[sflag:s4] =	ssyncadd.s32 $0xFFFFFE00  }
0x81: {  	[tilespmem:s10], [sflag:$0x1] =	stream.linear.gather [hbm4b:s9+s5], $0x80, $0x38;
	[tilespmem:$0x600] =	vst v63  }
0x82: {  	_ =	swait.ge [sflag:s4], $0x80  }
0x83: {  	[sflag:s4] =	ssyncset.done $0x0  }
0x84: {  	[sflag:s4] =	ssyncadd.s32 $0xFFFFFF80  }
0x85: {  	[tilespmem:s12], [sflag:$0x1] =	stream.linear.gather [hbm4b:s11+s5], $0x80, $0x38;
	[tilespmem:$0x600] =	vst v63  }
0x86: {  	_ =	swait.ge [sflag:s4], $0x80  }
0x87: {  	[sflag:s4] =	ssyncset.done $0x0  }
0x88: {  	[sflag:s4] =	ssyncadd.s32 $0xFFFFFF80  }
0x89: {  	v0 =	vld [tilespmem:$0x490]  }
0x8a: {  	v1 =	vld [tilespmem:$0x400]  }
0x8b: {  	v2 =	vld [tilespmem:$0x480]  }
0x8c: {  	v3 =	vld [tilespmem:$0x410]  }
0x8d: {  	v4 =	vld [tilespmem:$0x200]  }
0x8e: {  	v5 =	vld [tilespmem:$0x0]  }
0x8f: {  	v6 =	vld [tilespmem:$0x210]  }
0x90: {  	v0 =	vadd.f32 v0, v2;
	v2 =	vld [tilespmem:$0x10]  }
0x91: {  	v1 =	vadd.f32 v3, v1;
	v3 =	vld [tilespmem:$0x220]  }
0x92: {  	v0 =	vadd.f32 v4, v0;
	v4 =	vld [tilespmem:$0x20]  }
0x93: {  	v1 =	vadd.f32 v5, v1;
	v5 =	vld [tilespmem:$0x230]  }
0x94: {  	v0 =	vadd.f32 v6, v0;
	v6 =	vld [tilespmem:$0x30]  }
0x95: {  	v1 =	vadd.f32 v2, v1;
	v2 =	vld [tilespmem:$0x240]  }
0x96: {  	v0 =	vadd.f32 v3, v0;
	v3 =	vld [tilespmem:$0x40]  }
0x97: {  	v1 =	vadd.f32 v4, v1;
	v4 =	vld [tilespmem:$0x250]  }
0x98: {  	v0 =	vadd.f32 v5, v0;
	v5 =	vld [tilespmem:$0x50]  }
0x99: {  	v1 =	vadd.f32 v6, v1;
	v6 =	vld [tilespmem:$0x260]  }
0x9a: {  	v0 =	vadd.f32 v2, v0;
	v2 =	vld [tilespmem:$0x60]  }
0x9b: {  	v1 =	vadd.f32 v3, v1;
	v3 =	vld [tilespmem:$0x270]  }
0x9c: {  	v0 =	vadd.f32 v4, v0;
	v4 =	vld [tilespmem:$0x70]  }
0x9d: {  	v1 =	vadd.f32 v5, v1;
	v5 =	vld [tilespmem:$0x280]  }
0x9e: {  	v0 =	vadd.f32 v6, v0;
	v6 =	vld [tilespmem:$0x80]  }
0x9f: {  	v1 =	vadd.f32 v2, v1;
	v2 =	vld [tilespmem:$0x290]  }
0xa0: {  	v0 =	vadd.f32 v3, v0;
	v3 =	vld [tilespmem:$0x90]  }
0xa1: {  	v1 =	vadd.f32 v4, v1;
	v4 =	vld [tilespmem:$0x2A0]  }
0xa2: {  	v0 =	vadd.f32 v5, v0;
	v5 =	vld [tilespmem:$0xA0]  }
0xa3: {  	v1 =	vadd.f32 v6, v1;
	v6 =	vld [tilespmem:$0x2B0]  }
0xa4: {  	v0 =	vadd.f32 v2, v0;
	v2 =	vld [tilespmem:$0xB0]  }
0xa5: {  	v1 =	vadd.f32 v3, v1;
	v3 =	vld [tilespmem:$0x2C0]  }
0xa6: {  	v0 =	vadd.f32 v4, v0;
	v4 =	vld [tilespmem:$0xC0]  }
0xa7: {  	v1 =	vadd.f32 v5, v1;
	v5 =	vld [tilespmem:$0x2D0]  }
0xa8: {  	v0 =	vadd.f32 v6, v0;
	v6 =	vld [tilespmem:$0xD0]  }
0xa9: {  	v1 =	vadd.f32 v2, v1;
	v2 =	vld [tilespmem:$0x2E0]  }
0xaa: {  	v0 =	vadd.f32 v3, v0;
	v3 =	vld [tilespmem:$0xE0]  }
0xab: {  	v1 =	vadd.f32 v4, v1;
	v4 =	vld [tilespmem:$0x2F0]  }
0xac: {  	v0 =	vadd.f32 v5, v0;
	v5 =	vld [tilespmem:$0xF0]  }
0xad: {  	v1 =	vadd.f32 v6, v1;
	v6 =	vld [tilespmem:$0x300]  }
0xae: {  	v0 =	vadd.f32 v2, v0;
	v2 =	vld [tilespmem:$0x100]  }
0xaf: {  	v1 =	vadd.f32 v3, v1;
	v3 =	vld [tilespmem:$0x310]  }
0xb0: {  	v0 =	vadd.f32 v4, v0;
	v4 =	vld [tilespmem:$0x110]  }
0xb1: {  	v1 =	vadd.f32 v5, v1;
	v5 =	vld [tilespmem:$0x320]  }
0xb2: {  	v0 =	vadd.f32 v6, v0;
	v6 =	vld [tilespmem:$0x120]  }
0xb3: {  	v1 =	vadd.f32 v2, v1;
	v2 =	vld [tilespmem:$0x330]  }
0xb4: {  	v0 =	vadd.f32 v3, v0;
	v3 =	vld [tilespmem:$0x130]  }
0xb5: {  	v1 =	vadd.f32 v4, v1;
	v4 =	vld [tilespmem:$0x340]  }
0xb6: {  	v0 =	vadd.f32 v5, v0;
	v5 =	vld [tilespmem:$0x140]  }
0xb7: {  	v1 =	vadd.f32 v6, v1;
	v6 =	vld [tilespmem:$0x350]  }
0xb8: {  	v0 =	vadd.f32 v2, v0;
	v2 =	vld [tilespmem:$0x150]  }
0xb9: {  	v1 =	vadd.f32 v3, v1;
	v3 =	vld [tilespmem:$0x360]  }
0xba: {  	v0 =	vadd.f32 v4, v0;
	v4 =	vld [tilespmem:$0x160]  }
0xbb: {  	v1 =	vadd.f32 v5, v1;
	v5 =	vld [tilespmem:$0x370]  }
0xbc: {  	v0 =	vadd.f32 v6, v0;
	v6 =	vld [tilespmem:$0x170]  }
0xbd: {  	v1 =	vadd.f32 v2, v1;
	v2 =	vld [tilespmem:$0x380]  }
0xbe: {  	v0 =	vadd.f32 v3, v0;
	v3 =	vld [tilespmem:$0x180]  }
0xbf: {  	v1 =	vadd.f32 v4, v1;
	v4 =	vld [tilespmem:$0x390]  }
0xc0: {  	v0 =	vadd.f32 v5, v0;
	v5 =	vld [tilespmem:$0x190]  }
0xc1: {  	v1 =	vadd.f32 v6, v1;
	v6 =	vld [tilespmem:$0x3A0]  }
0xc2: {  	v0 =	vadd.f32 v2, v0;
	v2 =	vld [tilespmem:$0x1A0]  }
0xc3: {  	v1 =	vadd.f32 v3, v1;
	v3 =	vld [tilespmem:$0x3B0]  }
0xc4: {  	v0 =	vadd.f32 v4, v0;
	v4 =	vld [tilespmem:$0x1B0]  }
0xc5: {  	v1 =	vadd.f32 v5, v1;
	v5 =	vld [tilespmem:$0x3C0]  }
0xc6: {  	v0 =	vadd.f32 v6, v0;
	v6 =	vld [tilespmem:$0x1C0]  }
0xc7: {  	v1 =	vadd.f32 v2, v1;
	v2 =	vld [tilespmem:$0x3D0]  }
0xc8: {  	v0 =	vadd.f32 v3, v0;
	v3 =	vld [tilespmem:$0x1D0]  }
0xc9: {  	v1 =	vadd.f32 v4, v1;
	v4 =	vld [tilespmem:$0x3E0]  }
0xca: {  	v0 =	vadd.f32 v5, v0;
	v5 =	vld [tilespmem:$0x1E0]  }
0xcb: {  	v1 =	vadd.f32 v6, v1;
	v6 =	vld [tilespmem:$0x3F0]  }
0xcc: {  	v0 =	vadd.f32 v2, v0;
	v2 =	vld [tilespmem:$0x1F0]  }
0xcd: {  	v1 =	vadd.f32 v3, v1  }
0xce: {  	v0 =	vadd.f32 v4, v0  }
0xcf: {  	v1 =	vadd.f32 v5, v1  }
0xd0: {  	v0 =	vadd.f32 v6, v0  }
0xd1: {  	v1 =	vadd.f32 v2, v1  }
0xd2: {  	(xrf2) =	vadd.scan.msk.f32 $0xffff, v0;
	_ =	sdelay $0x2  }
0xd3: {  	(xrf2) =	vadd.scan.msk.f32 $0xffff, v1;
	_ =	sdelay $0x6  }
0xd4: {  	v0, _, _ =	vpop (xrf2)  }
0xd5: {  	(v2sf) =	vpush v0, $0xF;
	_ =	sdelay $0x1  }
0xd6: {  	v0, _, _ =	vpop (xrf2)  }
0xd7: {  	(v2sf) =	vpush v0, $0xF;
	_ =	sdelay $0xb  }
0xd8: {  	s16 =	spop (v2sf)  }
0xd9: {  	s16 =	smul.f32 $6.103515630e-05, s16;
	_ =	sdelay $0x1  }
0xda: {  	v0 =	vmov s16;
	s16 =	spop (v2sf)  }
0xdb: {  	s16 =	smul.f32 $7.629394530e-06, s16;
	[tilespmem:$0x580] =	vst v0  }
.Ltmp2:
0xdc: {  	(pc) =	sbr.rel @p0 .LBB2_2-.Ltmp2, $4  }
0xdd: {  	v0 =	vmov s16  }
0xde: {  	[tilespmem:$0x500] =	vst v0  }
0xdf: {  	[hbm4b:s3+s5] =	stream.linear.scatter [tilespmem:s13], [sflag:$0x1], $0x80, $0x38;
	[tilespmem:$0x600] =	vst v63  }
0xe0: {  	_ =	swait.ge [sflag:s4], $0x80  }
.LBB2_3:
0xe1: {  	[sflag:s4] =	ssyncset.done $0x0  }
0xe2: {  	[sflag:s4] =	ssyncadd.s32 $0xFFFFFF80  }
0xe3: {  	[hbm4b:s2+s5] =	stream.linear.scatter [tilespmem:s14], [sflag:$0x1], $0x80, $0x38;
	[tilespmem:$0x600] =	vst v63  }
0xe4: {  	_ =	swait.ge [sflag:s4], $0x80  }
0xe5: {  	[sflag:s4] =	ssyncset.done $0x0  }
0xe6: {  	[sflag:s4] =	ssyncadd.s32 $0xFFFFFF80  }
.LBB2_4:
0xe7: {  	_ =	sfence.sel $0x180000  }
0xe8: {  	[bflag:$0x0] =	sbarrier.arrive $0xFFFF  }
0xe9: {  	p0 =	sne.s32 s0, $0x0;
	_ =	strace $0x9000004A  }
0xea: {  	s0 =	sadd.s32 @!p0 $0x100000, s1;
	[bflag:$0x2] =	sbarrier.arrive $0xFFFF  }
0xeb: {  	[sflag:s0] =	ssyncadd.tile.s32 @!p0 $0x1;
	_ =	shalt  }
.Lfunc_end2:
_tile_overlayer_lowered:
.L_overlay_start_2:
0xec: {  	(tag) =	ssettag $0x2  }
0xed: {  	s0 =	rddreg [dreg:$0x0];
	s2 =	stileid.u32  }
0xee: {  	s1 =	rddreg [dreg:$0x1];
	p0 =	sne.s32 s2, $0x0  }
0xef: {  	s3 =	rddreg [dreg:$0x2];
	[bflag:$0x3] =	sbarrier.arrive $0xFFFF;
	s2 =	simm.s32 @!p0 $0x1C01  }
0xf0: {  	[timem:s3], [sflag:s2] =	dma.local @!p0 [hbm:s0], s1  }
0xf1: {  	s0 =	simm.s32 @!p0 $0x1  }
0xf2: {  	_ =	swait.ge @!p0 [sflag:s0], s1  }
0xf3: {  	s1 =	ssub.s32 @!p0 $0x0, s1;
	[sflag:s0] =	ssyncset.done @!p0 $0x0  }
0xf4: {  	[sflag:s0] =	ssyncadd.s32 @!p0 s1  }
0xf5: {  	[bflag:$0x3] =	sbarrier.arrive $0xFFFF  }
0xf6: {  	_ =	shalt  }

</sc_bundles>
